<compile_context>
chip_gen: v7x
topology: tpu7x:2x2x1
jax: 0.10.2.dev20260603
libtpu: 0.0.44.dev20260713+nightly
codegen_flags: <defaults>
</compile_context>

<pallas_src>
import functools

import jax
import jax.numpy as jnp
from jax import lax
from jax.experimental import pallas as pl
from jax.experimental.pallas import tpu as pltpu
from jax.experimental.pallas import tpu_sc as plsc

N_NODES = 10000
N_EDGES = 320000
F = 128

NC = 2
NS = 16
EDGES_PER_CORE = N_EDGES // NC
EDGES_PER_TILE = EDGES_PER_CORE // NS
EB = 80
N_BATCH = EDGES_PER_TILE // EB
ACC_ROWS = 10240
ROWS_PER_TILE = ACC_ROWS // NS
ZR = 8


def _sc_scatter(x, ei):
    mesh = plsc.VectorSubcoreMesh(
        core_axis_name="c", subcore_axis_name="s",
        num_cores=NC, num_subcores=NS)

    @functools.partial(
        pl.kernel,
        out_type=jax.ShapeDtypeStruct((NC, ACC_ROWS, F), jnp.float32),
        mesh=mesh,
        scratch_types=[
            pltpu.VMEM((N_BATCH * EB,), jnp.int32),
            pltpu.VMEM((N_BATCH * EB,), jnp.int32),
            pltpu.VMEM((EB, F), jnp.float32),
            pltpu.VMEM((EB, F), jnp.float32),
            pltpu.VMEM((ZR, F), jnp.float32),
            pltpu.VMEM_SHARED((ACC_ROWS, F), jnp.float32),
            pltpu.SemaphoreType.DMA,
            pltpu.SemaphoreType.DMA,
            pltpu.SemaphoreType.DMA,
        ],
        compiler_params=pltpu.CompilerParams(use_tc_tiling_on_sc=False),
    )
    def k(x_hbm, ei_hbm, out_hbm, cidx_v, ridx_v, buf_a, buf_b,
          zbuf_v, acc_sh, sem_a, sem_b, sem_z):
        c = lax.axis_index("c")
        s = lax.axis_index("s")

        tid = c * NS + s
        idx_cp_c = pltpu.async_copy(
            ei_hbm.at[1, pl.ds(tid * EDGES_PER_TILE, EDGES_PER_TILE)],
            cidx_v, sem_a)
        idx_cp_r = pltpu.async_copy(
            ei_hbm.at[0, pl.ds(tid * EDGES_PER_TILE, EDGES_PER_TILE)],
            ridx_v, sem_b)

        zero16 = jnp.zeros((16,), jnp.float32)
        for i in range(ZR):
            for j in range(F // 16):
                zbuf_v[i, pl.ds(j * 16, 16)] = zero16

        base_row = s * ROWS_PER_TILE

        def zfire(i, carry):
            pltpu.async_copy(zbuf_v, acc_sh.at[pl.ds(base_row + i * ZR, ZR)],
                             sem_z)
            return carry

        def zdrain(i, carry):
            pltpu.make_async_copy(
                zbuf_v, acc_sh.at[pl.ds(base_row + i * ZR, ZR)],
                sem_z).wait()
            return carry

        def gather(i, buf, sem):
            pltpu.async_copy(x_hbm.at[cidx_v.at[pl.ds(i * EB, EB)]], buf, sem)

        def gwait(i, buf, sem):
            pltpu.make_async_copy(
                x_hbm.at[cidx_v.at[pl.ds(i * EB, EB)]], buf, sem).wait()

        def scat(i, buf):
            pltpu.sync_copy(buf, acc_sh.at[ridx_v.at[pl.ds(i * EB, EB)]],
                            add=True)

        lax.fori_loop(0, ROWS_PER_TILE // ZR, zfire, 0)
        idx_cp_c.wait()
        idx_cp_r.wait()
        gather(0, buf_a, sem_a)
        gather(1, buf_b, sem_b)
        lax.fori_loop(0, ROWS_PER_TILE // ZR, zdrain, 0)
        plsc.subcore_barrier()

        def eloop(j, carry):
            i = 2 * j
            gwait(i, buf_a, sem_a)
            scat(i, buf_a)
            gather(i + 2, buf_a, sem_a)
            gwait(i + 1, buf_b, sem_b)
            scat(i + 1, buf_b)
            gather(i + 3, buf_b, sem_b)
            return carry

        n_even = (N_BATCH // 2) * 2
        lax.fori_loop(0, n_even // 2 - 1, eloop, 0)
        gwait(n_even - 2, buf_a, sem_a)
        scat(n_even - 2, buf_a)
        gwait(n_even - 1, buf_b, sem_b)
        scat(n_even - 1, buf_b)
        for i in range(n_even, N_BATCH):
            gather(i, buf_a, sem_a)
            gwait(i, buf_a, sem_a)
            scat(i, buf_a)
        plsc.subcore_barrier()

        pltpu.sync_copy(acc_sh.at[pl.ds(base_row, ROWS_PER_TILE)],
                        out_hbm.at[c].at[pl.ds(base_row, ROWS_PER_TILE)])

    return k(x, ei)


def _tc_combine(partials, W, b2d):
    BR = 2560

    def body(p_ref, w_ref, b_ref, o_ref):
        agg = p_ref[0] + p_ref[1]
        o_ref[...] = jnp.dot(agg, w_ref[...],
                             preferred_element_type=jnp.float32) + b_ref[...]

    return pl.pallas_call(
        body,
        grid=(ACC_ROWS // BR,),
        in_specs=[
            pl.BlockSpec((NC, BR, F), lambda i: (0, i, 0)),
            pl.BlockSpec((F, F), lambda i: (0, 0)),
            pl.BlockSpec((1, F), lambda i: (0, 0)),
        ],
        out_specs=pl.BlockSpec((BR, F), lambda i: (i, 0)),
        out_shape=jax.ShapeDtypeStruct((N_NODES, F), jnp.float32),
    )(partials, W, b2d)


def kernel(x, edge_index_or_adj, W, b):
    ei = edge_index_or_adj.astype(jnp.int32)
    partials = _sc_scatter(x, ei)
    return _tc_combine(partials, W, b.reshape(1, F))

# --- scband reference (transcript-rebuilt; emitter-appended) ---
"""Pipeline reference for scband-graph-conv-layer-59923383714230 (READ-ONLY COPY).

The authoritative reference and input builder live on the scoring server;
editing this copy changes nothing except your own understanding.
"""

import jax, jax.numpy as jnp
import numpy as np

N_NODES = 10000
N_EDGES = 320000
IN_FEATURES = 128
OUT_FEATURES = 128


def setup_inputs(seed: int = 0) -> dict:
    key = jax.random.key(seed)
    k_x, k_ei_src, k_ei_dst, k_w, k_b = jax.random.split(key, 5)
    x = jax.random.normal(k_x, (N_NODES, IN_FEATURES), dtype=jnp.float32)
    row = jax.random.randint(k_ei_src, (N_EDGES,), 0, N_NODES, dtype=jnp.int64)
    col = jax.random.randint(k_ei_dst, (N_EDGES,), 0, N_NODES, dtype=jnp.int64)
    edge_index = jnp.stack([row, col], axis=0)
    stdv = 1.0 / np.sqrt(OUT_FEATURES)
    W = jax.random.uniform(k_w, (IN_FEATURES, OUT_FEATURES), dtype=jnp.float32, minval=-stdv, maxval=stdv)
    b = jax.random.uniform(k_b, (OUT_FEATURES,), dtype=jnp.float32, minval=-stdv, maxval=stdv)
    return {"x": x, "edge_index_or_adj": edge_index, "W": W, "b": b}


def reference(x, edge_index_or_adj, W, b):
    # Custom GCN path (torch_geometric unavailable):
    # adj = sparse COO with ones at (row, col); output = adj @ (x @ W) + b
    support = jnp.matmul(x, W)  # [N, out]
    row = edge_index_or_adj[0]
    col = edge_index_or_adj[1]
    gathered = jnp.take(support, col, axis=0)  # [E, out]
    out = jnp.zeros((x.shape[0], W.shape[1]), dtype=support.dtype).at[row].add(gathered)
    out = out + b
    # activation is None -> identity
    return out

if __name__ == "__main__":
    import jax
    _d = setup_inputs()
    print(jax.jit(kernel)(*tuple(_d.values())))

</pallas_src>

<mosaic_0001>
#map = affine_map<(d0, d1) -> (0, 0)>
#map1 = affine_map<(d0, d1) -> (0, 0, 0)>
module attributes {stable_mosaic.version = 14 : i64} {
  func.func @k(%arg0: i32, %arg1: i32, %arg2: memref<10000x128xf32, #tpu.memory_space<hbm>>, %arg3: memref<2x320000xi32, #tpu.memory_space<hbm>>, %arg4: memref<2x10240x128xf32, #tpu.memory_space<hbm>>, %arg5: memref<10000xi32, #tpu.memory_space<vmem>>, %arg6: memref<10000xi32, #tpu.memory_space<vmem>>, %arg7: memref<80x128xf32, #tpu.memory_space<vmem>>, %arg8: memref<80x128xf32, #tpu.memory_space<vmem>>, %arg9: memref<8x128xf32, #tpu.memory_space<vmem>>, %arg10: memref<10240x128xf32, #tpu.memory_space<vmem_shared>>, %arg11: memref<!tpu.dma_semaphore, #tpu.memory_space<semaphore_mem>>, %arg12: memref<!tpu.dma_semaphore, #tpu.memory_space<semaphore_mem>>, %arg13: memref<!tpu.dma_semaphore, #tpu.memory_space<semaphore_mem>>) attributes {dimension_semantics = [#tpu.dimension_semantics<core_parallel>, #tpu.dimension_semantics<subcore_parallel>], iteration_bounds = array<i64: 2, 16>, scalar_prefetch = 0 : i64, scratch_operands = 9 : i64, tpu.core_type = #tpu.core_type<sc_vector_subcore>, window_params = [{transform_indices = #map}, {transform_indices = #map}, {transform_indices = #map1}]} {
    %mul3A = arith.constant 16 : i32
    %mul3A_0 = arith.muli %arg0, %mul3A : i32
    %add3A = arith.addi %mul3A_0, %arg1 : i32
    %mul3A_1 = arith.constant 10000 : i32
    %mul3A_2 = arith.muli %add3A, %mul3A_1 : i32
    %dma_start3A = arith.constant 1 : i32
    %dma_start3A_3 = tpu.memref_slice %arg3[%dma_start3A, %mul3A_2] : memref<2x320000xi32, #tpu.memory_space<hbm>> -> memref<1x10000xi32, #tpu.memory_space<hbm>>
    %dma_start3A_4 = tpu.memref_squeeze %dma_start3A_3 : memref<1x10000xi32, #tpu.memory_space<hbm>> -> memref<10000xi32, #tpu.memory_space<hbm>>
    %dma_start3A_5 = tpu.memref_slice %arg3[%dma_start3A, %mul3A_2] : memref<2x320000xi32, #tpu.memory_space<hbm>> -> memref<1x10000xi32, #tpu.memory_space<hbm>>
    %dma_start3A_6 = tpu.memref_squeeze %dma_start3A_5 : memref<1x10000xi32, #tpu.memory_space<hbm>> -> memref<10000xi32, #tpu.memory_space<hbm>>
    tpu.enqueue_dma source(%dma_start3A_6 : memref<10000xi32, #tpu.memory_space<hbm>>) target(%arg5 : memref<10000xi32, #tpu.memory_space<vmem>>) target_semaphore(%arg11 : memref<!tpu.dma_semaphore, #tpu.memory_space<semaphore_mem>>)
    %mul3A_7 = arith.constant 10000 : i32
    %mul3A_8 = arith.muli %add3A, %mul3A_7 : i32
    %dma_start3A_9 = arith.constant 0 : i32
    %dma_start3A_10 = tpu.memref_slice %arg3[%dma_start3A_9, %mul3A_8] : memref<2x320000xi32, #tpu.memory_space<hbm>> -> memref<1x10000xi32, #tpu.memory_space<hbm>>
    %dma_start3A_11 = tpu.memref_squeeze %dma_start3A_10 : memref<1x10000xi32, #tpu.memory_space<hbm>> -> memref<10000xi32, #tpu.memory_space<hbm>>
    %dma_start3A_12 = tpu.memref_slice %arg3[%dma_start3A_9, %mul3A_8] : memref<2x320000xi32, #tpu.memory_space<hbm>> -> memref<1x10000xi32, #tpu.memory_space<hbm>>
    %dma_start3A_13 = tpu.memref_squeeze %dma_start3A_12 : memref<1x10000xi32, #tpu.memory_space<hbm>> -> memref<10000xi32, #tpu.memory_space<hbm>>
    tpu.enqueue_dma source(%dma_start3A_13 : memref<10000xi32, #tpu.memory_space<hbm>>) target(%arg6 : memref<10000xi32, #tpu.memory_space<vmem>>) target_semaphore(%arg12 : memref<!tpu.dma_semaphore, #tpu.memory_space<semaphore_mem>>)
    %broadcast_in_dim3A = arith.constant 0.000000e+00 : f32
    %broadcast_in_dim3A_14 = vector.broadcast %broadcast_in_dim3A : f32 to vector<16xf32>
    %swap3A = arith.constant 0 : i32
    %swap3A_15 = arith.index_cast %swap3A : i32 to index
    %swap3A_16 = arith.constant 0 : index
    %swap3A_17 = tpu.vector_load %arg9[%swap3A_15, %swap3A_16] {strides = array<i32>} : memref<8x128xf32, #tpu.memory_space<vmem>>, vector<1x16xf32>,
    %swap3A_18 = vector.shape_cast %swap3A_17 : vector<1x16xf32> to vector<16xf32>
    %swap3A_19 = vector.shape_cast %broadcast_in_dim3A_14 : vector<16xf32> to vector<1x16xf32>
    tpu.vector_store %arg9[%swap3A_15, %swap3A_16], %swap3A_19 {strides = array<i32>} : memref<8x128xf32, #tpu.memory_space<vmem>>, vector<1x16xf32>,
    %swap3A_20 = arith.constant 0 : i32
    %swap3A_21 = arith.index_cast %swap3A_20 : i32 to index
    %swap3A_22 = arith.constant 16 : index
    %swap3A_23 = tpu.vector_load %arg9[%swap3A_21, %swap3A_22] {strides = array<i32>} : memref<8x128xf32, #tpu.memory_space<vmem>>, vector<1x16xf32>,
    %swap3A_24 = vector.shape_cast %swap3A_23 : vector<1x16xf32> to vector<16xf32>
    %swap3A_25 = vector.shape_cast %broadcast_in_dim3A_14 : vector<16xf32> to vector<1x16xf32>
    tpu.vector_store %arg9[%swap3A_21, %swap3A_22], %swap3A_25 {strides = array<i32>} : memref<8x128xf32, #tpu.memory_space<vmem>>, vector<1x16xf32>,
    %swap3A_26 = arith.constant 0 : i32
    %swap3A_27 = arith.index_cast %swap3A_26 : i32 to index
    %swap3A_28 = arith.constant 32 : index
    %swap3A_29 = tpu.vector_load %arg9[%swap3A_27, %swap3A_28] {strides = array<i32>} : memref<8x128xf32, #tpu.memory_space<vmem>>, vector<1x16xf32>,
    %swap3A_30 = vector.shape_cast %swap3A_29 : vector<1x16xf32> to vector<16xf32>
    %swap3A_31 = vector.shape_cast %broadcast_in_dim3A_14 : vector<16xf32> to vector<1x16xf32>
    tpu.vector_store %arg9[%swap3A_27, %swap3A_28], %swap3A_31 {strides = array<i32>} : memref<8x128xf32, #tpu.memory_space<vmem>>, vector<1x16xf32>,
    %swap3A_32 = arith.constant 0 : i32
    %swap3A_33 = arith.index_cast %swap3A_32 : i32 to index
    %swap3A_34 = arith.constant 48 : index
    %swap3A_35 = tpu.vector_load %arg9[%swap3A_33, %swap3A_34] {strides = array<i32>} : memref<8x128xf32, #tpu.memory_space<vmem>>, vector<1x16xf32>,
    %swap3A_36 = vector.shape_cast %swap3A_35 : vector<1x16xf32> to vector<16xf32>
    %swap3A_37 = vector.shape_cast %broadcast_in_dim3A_14 : vector<16xf32> to vector<1x16xf32>
    tpu.vector_store %arg9[%swap3A_33, %swap3A_34], %swap3A_37 {strides = array<i32>} : memref<8x128xf32, #tpu.memory_space<vmem>>, vector<1x16xf32>,
    %swap3A_38 = arith.constant 0 : i32
    %swap3A_39 = arith.index_cast %swap3A_38 : i32 to index
    %swap3A_40 = arith.constant 64 : index
    %swap3A_41 = tpu.vector_load %arg9[%swap3A_39, %swap3A_40] {strides = array<i32>} : memref<8x128xf32, #tpu.memory_space<vmem>>, vector<1x16xf32>,
    %swap3A_42 = vector.shape_cast %swap3A_41 : vector<1x16xf32> to vector<16xf32>
    %swap3A_43 = vector.shape_cast %broadcast_in_dim3A_14 : vector<16xf32> to vector<1x16xf32>
    tpu.vector_store %arg9[%swap3A_39, %swap3A_40], %swap3A_43 {strides = array<i32>} : memref<8x128xf32, #tpu.memory_space<vmem>>, vector<1x16xf32>,
    %swap3A_44 = arith.constant 0 : i32
    %swap3A_45 = arith.index_cast %swap3A_44 : i32 to index
    %swap3A_46 = arith.constant 80 : index
    %swap3A_47 = tpu.vector_load %arg9[%swap3A_45, %swap3A_46] {strides = array<i32>} : memref<8x128xf32, #tpu.memory_space<vmem>>, vector<1x16xf32>,
    %swap3A_48 = vector.shape_cast %swap3A_47 : vector<1x16xf32> to vector<16xf32>
    %swap3A_49 = vector.shape_cast %broadcast_in_dim3A_14 : vector<16xf32> to vector<1x16xf32>
    tpu.vector_store %arg9[%swap3A_45, %swap3A_46], %swap3A_49 {strides = array<i32>} : memref<8x128xf32, #tpu.memory_space<vmem>>, vector<1x16xf32>,
    %swap3A_50 = arith.constant 0 : i32
    %swap3A_51 = arith.index_cast %swap3A_50 : i32 to index
    %swap3A_52 = arith.constant 96 : index
    %swap3A_53 = tpu.vector_load %arg9[%swap3A_51, %swap3A_52] {strides = array<i32>} : memref<8x128xf32, #tpu.memory_space<vmem>>, vector<1x16xf32>,
    %swap3A_54 = vector.shape_cast %swap3A_53 : vector<1x16xf32> to vector<16xf32>
    %swap3A_55 = vector.shape_cast %broadcast_in_dim3A_14 : vector<16xf32> to vector<1x16xf32>
    tpu.vector_store %arg9[%swap3A_51, %swap3A_52], %swap3A_55 {strides = array<i32>} : memref<8x128xf32, #tpu.memory_space<vmem>>, vector<1x16xf32>,
    %swap3A_56 = arith.constant 0 : i32
    %swap3A_57 = arith.index_cast %swap3A_56 : i32 to index
    %swap3A_58 = arith.constant 112 : index
    %swap3A_59 = tpu.vector_load %arg9[%swap3A_57, %swap3A_58] {strides = array<i32>} : memref<8x128xf32, #tpu.memory_space<vmem>>, vector<1x16xf32>,
    %swap3A_60 = vector.shape_cast %swap3A_59 : vector<1x16xf32> to vector<16xf32>
    %swap3A_61 = vector.shape_cast %broadcast_in_dim3A_14 : vector<16xf32> to vector<1x16xf32>
    tpu.vector_store %arg9[%swap3A_57, %swap3A_58], %swap3A_61 {strides = array<i32>} : memref<8x128xf32, #tpu.memory_space<vmem>>, vector<1x16xf32>,
    %swap3A_62 = arith.constant 1 : i32
    %swap3A_63 = arith.index_cast %swap3A_62 : i32 to index
    %swap3A_64 = arith.constant 0 : index
    %swap3A_65 = tpu.vector_load %arg9[%swap3A_63, %swap3A_64] {strides = array<i32>} : memref<8x128xf32, #tpu.memory_space<vmem>>, vector<1x16xf32>,
    %swap3A_66 = vector.shape_cast %swap3A_65 : vector<1x16xf32> to vector<16xf32>
    %swap3A_67 = vector.shape_cast %broadcast_in_dim3A_14 : vector<16xf32> to vector<1x16xf32>
    tpu.vector_store %arg9[%swap3A_63, %swap3A_64], %swap3A_67 {strides = array<i32>} : memref<8x128xf32, #tpu.memory_space<vmem>>, vector<1x16xf32>,
    %swap3A_68 = arith.constant 1 : i32
    %swap3A_69 = arith.index_cast %swap3A_68 : i32 to index
    %swap3A_70 = arith.constant 16 : index
    %swap3A_71 = tpu.vector_load %arg9[%swap3A_69, %swap3A_70] {strides = array<i32>} : memref<8x128xf32, #tpu.memory_space<vmem>>, vector<1x16xf32>,
    %swap3A_72 = vector.shape_cast %swap3A_71 : vector<1x16xf32> to vector<16xf32>
    %swap3A_73 = vector.shape_cast %broadcast_in_dim3A_14 : vector<16xf32> to vector<1x16xf32>
    tpu.vector_store %arg9[%swap3A_69, %swap3A_70], %swap3A_73 {strides = array<i32>} : memref<8x128xf32, #tpu.memory_space<vmem>>, vector<1x16xf32>,
    %swap3A_74 = arith.constant 1 : i32
    %swap3A_75 = arith.index_cast %swap3A_74 : i32 to index
    %swap3A_76 = arith.constant 32 : index
    %swap3A_77 = tpu.vector_load %arg9[%swap3A_75, %swap3A_76] {strides = array<i32>} : memref<8x128xf32, #tpu.memory_space<vmem>>, vector<1x16xf32>,
    %swap3A_78 = vector.shape_cast %swap3A_77 : vector<1x16xf32> to vector<16xf32>
    %swap3A_79 = vector.shape_cast %broadcast_in_dim3A_14 : vector<16xf32> to vector<1x16xf32>
    tpu.vector_store %arg9[%swap3A_75, %swap3A_76], %swap3A_79 {strides = array<i32>} : memref<8x128xf32, #tpu.memory_space<vmem>>, vector<1x16xf32>,
    %swap3A_80 = arith.constant 1 : i32
    %swap3A_81 = arith.index_cast %swap3A_80 : i32 to index
    %swap3A_82 = arith.constant 48 : index
    %swap3A_83 = tpu.vector_load %arg9[%swap3A_81, %swap3A_82] {strides = array<i32>} : memref<8x128xf32, #tpu.memory_space<vmem>>, vector<1x16xf32>,
    %swap3A_84 = vector.shape_cast %swap3A_83 : vector<1x16xf32> to vector<16xf32>
    %swap3A_85 = vector.shape_cast %broadcast_in_dim3A_14 : vector<16xf32> to vector<1x16xf32>
    tpu.vector_store %arg9[%swap3A_81, %swap3A_82], %swap3A_85 {strides = array<i32>} : memref<8x128xf32, #tpu.memory_space<vmem>>, vector<1x16xf32>,
    %swap3A_86 = arith.constant 1 : i32
    %swap3A_87 = arith.index_cast %swap3A_86 : i32 to index
    %swap3A_88 = arith.constant 64 : index
    %swap3A_89 = tpu.vector_load %arg9[%swap3A_87, %swap3A_88] {strides = array<i32>} : memref<8x128xf32, #tpu.memory_space<vmem>>, vector<1x16xf32>,
    %swap3A_90 = vector.shape_cast %swap3A_89 : vector<1x16xf32> to vector<16xf32>
    %swap3A_91 = vector.shape_cast %broadcast_in_dim3A_14 : vector<16xf32> to vector<1x16xf32>
    tpu.vector_store %arg9[%swap3A_87, %swap3A_88], %swap3A_91 {strides = array<i32>} : memref<8x128xf32, #tpu.memory_space<vmem>>, vector<1x16xf32>,
    %swap3A_92 = arith.constant 1 : i32
    %swap3A_93 = arith.index_cast %swap3A_92 : i32 to index
    %swap3A_94 = arith.constant 80 : index
    %swap3A_95 = tpu.vector_load %arg9[%swap3A_93, %swap3A_94] {strides = array<i32>} : memref<8x128xf32, #tpu.memory_space<vmem>>, vector<1x16xf32>,
    %swap3A_96 = vector.shape_cast %swap3A_95 : vector<1x16xf32> to vector<16xf32>
    %swap3A_97 = vector.shape_cast %broadcast_in_dim3A_14 : vector<16xf32> to vector<1x16xf32>
    tpu.vector_store %arg9[%swap3A_93, %swap3A_94], %swap3A_97 {strides = array<i32>} : memref<8x128xf32, #tpu.memory_space<vmem>>, vector<1x16xf32>,
    %swap3A_98 = arith.constant 1 : i32
    %swap3A_99 = arith.index_cast %swap3A_98 : i32 to index
    %swap3A_100 = arith.constant 96 : index
    %swap3A_101 = tpu.vector_load %arg9[%swap3A_99, %swap3A_100] {strides = array<i32>} : memref<8x128xf32, #tpu.memory_space<vmem>>, vector<1x16xf32>,
    %swap3A_102 = vector.shape_cast %swap3A_101 : vector<1x16xf32> to vector<16xf32>
    %swap3A_103 = vector.shape_cast %broadcast_in_dim3A_14 : vector<16xf32> to vector<1x16xf32>
    tpu.vector_store %arg9[%swap3A_99, %swap3A_100], %swap3A_103 {strides = array<i32>} : memref<8x128xf32, #tpu.memory_space<vmem>>, vector<1x16xf32>,
    %swap3A_104 = arith.constant 1 : i32
    %swap3A_105 = arith.index_cast %swap3A_104 : i32 to index
    %swap3A_106 = arith.constant 112 : index
    %swap3A_107 = tpu.vector_load %arg9[%swap3A_105, %swap3A_106] {strides = array<i32>} : memref<8x128xf32, #tpu.memory_space<vmem>>, vector<1x16xf32>,
    %swap3A_108 = vector.shape_cast %swap3A_107 : vector<1x16xf32> to vector<16xf32>
    %swap3A_109 = vector.shape_cast %broadcast_in_dim3A_14 : vector<16xf32> to vector<1x16xf32>
    tpu.vector_store %arg9[%swap3A_105, %swap3A_106], %swap3A_109 {strides = array<i32>} : memref<8x128xf32, #tpu.memory_space<vmem>>, vector<1x16xf32>,
    %swap3A_110 = arith.constant 2 : i32
    %swap3A_111 = arith.index_cast %swap3A_110 : i32 to index
    %swap3A_112 = arith.constant 0 : index
    %swap3A_113 = tpu.vector_load %arg9[%swap3A_111, %swap3A_112] {strides = array<i32>} : memref<8x128xf32, #tpu.memory_space<vmem>>, vector<1x16xf32>,
    %swap3A_114 = vector.shape_cast %swap3A_113 : vector<1x16xf32> to vector<16xf32>
    %swap3A_115 = vector.shape_cast %broadcast_in_dim3A_14 : vector<16xf32> to vector<1x16xf32>
    tpu.vector_store %arg9[%swap3A_111, %swap3A_112], %swap3A_115 {strides = array<i32>} : memref<8x128xf32, #tpu.memory_space<vmem>>, vector<1x16xf32>,
    %swap3A_116 = arith.constant 2 : i32
    %swap3A_117 = arith.index_cast %swap3A_116 : i32 to index
    %swap3A_118 = arith.constant 16 : index
    %swap3A_119 = tpu.vector_load %arg9[%swap3A_117, %swap3A_118] {strides = array<i32>} : memref<8x128xf32, #tpu.memory_space<vmem>>, vector<1x16xf32>,
    %swap3A_120 = vector.shape_cast %swap3A_119 : vector<1x16xf32> to vector<16xf32>
    %swap3A_121 = vector.shape_cast %broadcast_in_dim3A_14 : vector<16xf32> to vector<1x16xf32>
    tpu.vector_store %arg9[%swap3A_117, %swap3A_118], %swap3A_121 {strides = array<i32>} : memref<8x128xf32, #tpu.memory_space<vmem>>, vector<1x16xf32>,
    %swap3A_122 = arith.constant 2 : i32
    %swap3A_123 = arith.index_cast %swap3A_122 : i32 to index
    %swap3A_124 = arith.constant 32 : index
    %swap3A_125 = tpu.vector_load %arg9[%swap3A_123, %swap3A_124] {strides = array<i32>} : memref<8x128xf32, #tpu.memory_space<vmem>>, vector<1x16xf32>,
    %swap3A_126 = vector.shape_cast %swap3A_125 : vector<1x16xf32> to vector<16xf32>
    %swap3A_127 = vector.shape_cast %broadcast_in_dim3A_14 : vector<16xf32> to vector<1x16xf32>
    tpu.vector_store %arg9[%swap3A_123, %swap3A_124], %swap3A_127 {strides = array<i32>} : memref<8x128xf32, #tpu.memory_space<vmem>>, vector<1x16xf32>,
    %swap3A_128 = arith.constant 2 : i32
    %swap3A_129 = arith.index_cast %swap3A_128 : i32 to index
    %swap3A_130 = arith.constant 48 : index
    %swap3A_131 = tpu.vector_load %arg9[%swap3A_129, %swap3A_130] {strides = array<i32>} : memref<8x128xf32, #tpu.memory_space<vmem>>, vector<1x16xf32>,
    %swap3A_132 = vector.shape_cast %swap3A_131 : vector<1x16xf32> to vector<16xf32>
    %swap3A_133 = vector.shape_cast %broadcast_in_dim3A_14 : vector<16xf32> to vector<1x16xf32>
    tpu.vector_store %arg9[%swap3A_129, %swap3A_130], %swap3A_133 {strides = array<i32>} : memref<8x128xf32, #tpu.memory_space<vmem>>, vector<1x16xf32>,
    %swap3A_134 = arith.constant 2 : i32
    %swap3A_135 = arith.index_cast %swap3A_134 : i32 to index
    %swap3A_136 = arith.constant 64 : index
    %swap3A_137 = tpu.vector_load %arg9[%swap3A_135, %swap3A_136] {strides = array<i32>} : memref<8x128xf32, #tpu.memory_space<vmem>>, vector<1x16xf32>,
    %swap3A_138 = vector.shape_cast %swap3A_137 : vector<1x16xf32> to vector<16xf32>
    %swap3A_139 = vector.shape_cast %broadcast_in_dim3A_14 : vector<16xf32> to vector<1x16xf32>
    tpu.vector_store %arg9[%swap3A_135, %swap3A_136], %swap3A_139 {strides = array<i32>} : memref<8x128xf32, #tpu.memory_space<vmem>>, vector<1x16xf32>,
    %swap3A_140 = arith.constant 2 : i32
    %swap3A_141 = arith.index_cast %swap3A_140 : i32 to index
    %swap3A_142 = arith.constant 80 : index
    %swap3A_143 = tpu.vector_load %arg9[%swap3A_141, %swap3A_142] {strides = array<i32>} : memref<8x128xf32, #tpu.memory_space<vmem>>, vector<1x16xf32>,
    %swap3A_144 = vector.shape_cast %swap3A_143 : vector<1x16xf32> to vector<16xf32>
    %swap3A_145 = vector.shape_cast %broadcast_in_dim3A_14 : vector<16xf32> to vector<1x16xf32>
    tpu.vector_store %arg9[%swap3A_141, %swap3A_142], %swap3A_145 {strides = array<i32>} : memref<8x128xf32, #tpu.memory_space<vmem>>, vector<1x16xf32>,
    %swap3A_146 = arith.constant 2 : i32
    %swap3A_147 = arith.index_cast %swap3A_146 : i32 to index
    %swap3A_148 = arith.constant 96 : index
    %swap3A_149 = tpu.vector_load %arg9[%swap3A_147, %swap3A_148] {strides = array<i32>} : memref<8x128xf32, #tpu.memory_space<vmem>>, vector<1x16xf32>,
    %swap3A_150 = vector.shape_cast %swap3A_149 : vector<1x16xf32> to vector<16xf32>
    %swap3A_151 = vector.shape_cast %broadcast_in_dim3A_14 : vector<16xf32> to vector<1x16xf32>
    tpu.vector_store %arg9[%swap3A_147, %swap3A_148], %swap3A_151 {strides = array<i32>} : memref<8x128xf32, #tpu.memory_space<vmem>>, vector<1x16xf32>,
    %swap3A_152 = arith.constant 2 : i32
    %swap3A_153 = arith.index_cast %swap3A_152 : i32 to index
    %swap3A_154 = arith.constant 112 : index
    %swap3A_155 = tpu.vector_load %arg9[%swap3A_153, %swap3A_154] {strides = array<i32>} : memref<8x128xf32, #tpu.memory_space<vmem>>, vector<1x16xf32>,
    %swap3A_156 = vector.shape_cast %swap3A_155 : vector<1x16xf32> to vector<16xf32>
    %swap3A_157 = vector.shape_cast %broadcast_in_dim3A_14 : vector<16xf32> to vector<1x16xf32>
    tpu.vector_store %arg9[%swap3A_153, %swap3A_154], %swap3A_157 {strides = array<i32>} : memref<8x128xf32, #tpu.memory_space<vmem>>, vector<1x16xf32>,
    %swap3A_158 = arith.constant 3 : i32
    %swap3A_159 = arith.index_cast %swap3A_158 : i32 to index
    %swap3A_160 = arith.constant 0 : index
    %swap3A_161 = tpu.vector_load %arg9[%swap3A_159, %swap3A_160] {strides = array<i32>} : memref<8x128xf32, #tpu.memory_space<vmem>>, vector<1x16xf32>,
    %swap3A_162 = vector.shape_cast %swap3A_161 : vector<1x16xf32> to vector<16xf32>
    %swap3A_163 = vector.shape_cast %broadcast_in_dim3A_14 : vector<16xf32> to vector<1x16xf32>
    tpu.vector_store %arg9[%swap3A_159, %swap3A_160], %swap3A_163 {strides = array<i32>} : memref<8x128xf32, #tpu.memory_space<vmem>>, vector<1x16xf32>,
    %swap3A_164 = arith.constant 3 : i32
    %swap3A_165 = arith.index_cast %swap3A_164 : i32 to index
    %swap3A_166 = arith.constant 16 : index
    %swap3A_167 = tpu.vector_load %arg9[%swap3A_165, %swap3A_166] {strides = array<i32>} : memref<8x128xf32, #tpu.memory_space<vmem>>, vector<1x16xf32>,
    %swap3A_168 = vector.shape_cast %swap3A_167 : vector<1x16xf32> to vector<16xf32>
    %swap3A_169 = vector.shape_cast %broadcast_in_dim3A_14 : vector<16xf32> to vector<1x16xf32>
    tpu.vector_store %arg9[%swap3A_165, %swap3A_166], %swap3A_169 {strides = array<i32>} : memref<8x128xf32, #tpu.memory_space<vmem>>, vector<1x16xf32>,
    %swap3A_170 = arith.constant 3 : i32
    %swap3A_171 = arith.index_cast %swap3A_170 : i32 to index
    %swap3A_172 = arith.constant 32 : index
    %swap3A_173 = tpu.vector_load %arg9[%swap3A_171, %swap3A_172] {strides = array<i32>} : memref<8x128xf32, #tpu.memory_space<vmem>>, vector<1x16xf32>,
    %swap3A_174 = vector.shape_cast %swap3A_173 : vector<1x16xf32> to vector<16xf32>
    %swap3A_175 = vector.shape_cast %broadcast_in_dim3A_14 : vector<16xf32> to vector<1x16xf32>
    tpu.vector_store %arg9[%swap3A_171, %swap3A_172], %swap3A_175 {strides = array<i32>} : memref<8x128xf32, #tpu.memory_space<vmem>>, vector<1x16xf32>,
    %swap3A_176 = arith.constant 3 : i32
    %swap3A_177 = arith.index_cast %swap3A_176 : i32 to index
    %swap3A_178 = arith.constant 48 : index
    %swap3A_179 = tpu.vector_load %arg9[%swap3A_177, %swap3A_178] {strides = array<i32>} : memref<8x128xf32, #tpu.memory_space<vmem>>, vector<1x16xf32>,
    %swap3A_180 = vector.shape_cast %swap3A_179 : vector<1x16xf32> to vector<16xf32>
    %swap3A_181 = vector.shape_cast %broadcast_in_dim3A_14 : vector<16xf32> to vector<1x16xf32>
    tpu.vector_store %arg9[%swap3A_177, %swap3A_178], %swap3A_181 {strides = array<i32>} : memref<8x128xf32, #tpu.memory_space<vmem>>, vector<1x16xf32>,
    %swap3A_182 = arith.constant 3 : i32
    %swap3A_183 = arith.index_cast %swap3A_182 : i32 to index
    %swap3A_184 = arith.constant 64 : index
    %swap3A_185 = tpu.vector_load %arg9[%swap3A_183, %swap3A_184] {strides = array<i32>} : memref<8x128xf32, #tpu.memory_space<vmem>>, vector<1x16xf32>,
    %swap3A_186 = vector.shape_cast %swap3A_185 : vector<1x16xf32> to vector<16xf32>
    %swap3A_187 = vector.shape_cast %broadcast_in_dim3A_14 : vector<16xf32> to vector<1x16xf32>
    tpu.vector_store %arg9[%swap3A_183, %swap3A_184], %swap3A_187 {strides = array<i32>} : memref<8x128xf32, #tpu.memory_space<vmem>>, vector<1x16xf32>,
    %swap3A_188 = arith.constant 3 : i32
    %swap3A_189 = arith.index_cast %swap3A_188 : i32 to index
    %swap3A_190 = arith.constant 80 : index
    %swap3A_191 = tpu.vector_load %arg9[%swap3A_189, %swap3A_190] {strides = array<i32>} : memref<8x128xf32, #tpu.memory_space<vmem>>, vector<1x16xf32>,
    %swap3A_192 = vector.shape_cast %swap3A_191 : vector<1x16xf32> to vector<16xf32>
    %swap3A_193 = vector.shape_cast %broadcast_in_dim3A_14 : vector<16xf32> to vector<1x16xf32>
    tpu.vector_store %arg9[%swap3A_189, %swap3A_190], %swap3A_193 {strides = array<i32>} : memref<8x128xf32, #tpu.memory_space<vmem>>, vector<1x16xf32>,
    %swap3A_194 = arith.constant 3 : i32
    %swap3A_195 = arith.index_cast %swap3A_194 : i32 to index
    %swap3A_196 = arith.constant 96 : index
    %swap3A_197 = tpu.vector_load %arg9[%swap3A_195, %swap3A_196] {strides = array<i32>} : memref<8x128xf32, #tpu.memory_space<vmem>>, vector<1x16xf32>,
    %swap3A_198 = vector.shape_cast %swap3A_197 : vector<1x16xf32> to vector<16xf32>
    %swap3A_199 = vector.shape_cast %broadcast_in_dim3A_14 : vector<16xf32> to vector<1x16xf32>
    tpu.vector_store %arg9[%swap3A_195, %swap3A_196], %swap3A_199 {strides = array<i32>} : memref<8x128xf32, #tpu.memory_space<vmem>>, vector<1x16xf32>,
    %swap3A_200 = arith.constant 3 : i32
    %swap3A_201 = arith.index_cast %swap3A_200 : i32 to index
    %swap3A_202 = arith.constant 112 : index
    %swap3A_203 = tpu.vector_load %arg9[%swap3A_201, %swap3A_202] {strides = array<i32>} : memref<8x128xf32, #tpu.memory_space<vmem>>, vector<1x16xf32>,
    %swap3A_204 = vector.shape_cast %swap3A_203 : vector<1x16xf32> to vector<16xf32>
    %swap3A_205 = vector.shape_cast %broadcast_in_dim3A_14 : vector<16xf32> to vector<1x16xf32>
    tpu.vector_store %arg9[%swap3A_201, %swap3A_202], %swap3A_205 {strides = array<i32>} : memref<8x128xf32, #tpu.memory_space<vmem>>, vector<1x16xf32>,
    %swap3A_206 = arith.constant 4 : i32
    %swap3A_207 = arith.index_cast %swap3A_206 : i32 to index
    %swap3A_208 = arith.constant 0 : index
    %swap3A_209 = tpu.vector_load %arg9[%swap3A_207, %swap3A_208] {strides = array<i32>} : memref<8x128xf32, #tpu.memory_space<vmem>>, vector<1x16xf32>,
    %swap3A_210 = vector.shape_cast %swap3A_209 : vector<1x16xf32> to vector<16xf32>
    %swap3A_211 = vector.shape_cast %broadcast_in_dim3A_14 : vector<16xf32> to vector<1x16xf32>
    tpu.vector_store %arg9[%swap3A_207, %swap3A_208], %swap3A_211 {strides = array<i32>} : memref<8x128xf32, #tpu.memory_space<vmem>>, vector<1x16xf32>,
    %swap3A_212 = arith.constant 4 : i32
    %swap3A_213 = arith.index_cast %swap3A_212 : i32 to index
    %swap3A_214 = arith.constant 16 : index
    %swap3A_215 = tpu.vector_load %arg9[%swap3A_213, %swap3A_214] {strides = array<i32>} : memref<8x128xf32, #tpu.memory_space<vmem>>, vector<1x16xf32>,
    %swap3A_216 = vector.shape_cast %swap3A_215 : vector<1x16xf32> to vector<16xf32>
    %swap3A_217 = vector.shape_cast %broadcast_in_dim3A_14 : vector<16xf32> to vector<1x16xf32>
    tpu.vector_store %arg9[%swap3A_213, %swap3A_214], %swap3A_217 {strides = array<i32>} : memref<8x128xf32, #tpu.memory_space<vmem>>, vector<1x16xf32>,
    %swap3A_218 = arith.constant 4 : i32
    %swap3A_219 = arith.index_cast %swap3A_218 : i32 to index
    %swap3A_220 = arith.constant 32 : index
    %swap3A_221 = tpu.vector_load %arg9[%swap3A_219, %swap3A_220] {strides = array<i32>} : memref<8x128xf32, #tpu.memory_space<vmem>>, vector<1x16xf32>,
    %swap3A_222 = vector.shape_cast %swap3A_221 : vector<1x16xf32> to vector<16xf32>
    %swap3A_223 = vector.shape_cast %broadcast_in_dim3A_14 : vector<16xf32> to vector<1x16xf32>
    tpu.vector_store %arg9[%swap3A_219, %swap3A_220], %swap3A_223 {strides = array<i32>} : memref<8x128xf32, #tpu.memory_space<vmem>>, vector<1x16xf32>,
    %swap3A_224 = arith.constant 4 : i32
    %swap3A_225 = arith.index_cast %swap3A_224 : i32 to index
    %swap3A_226 = arith.constant 48 : index
    %swap3A_227 = tpu.vector_load %arg9[%swap3A_225, %swap3A_226] {strides = array<i32>} : memref<8x128xf32, #tpu.memory_space<vmem>>, vector<1x16xf32>,
    %swap3A_228 = vector.shape_cast %swap3A_227 : vector<1x16xf32> to vector<16xf32>
    %swap3A_229 = vector.shape_cast %broadcast_in_dim3A_14 : vector<16xf32> to vector<1x16xf32>
    tpu.vector_store %arg9[%swap3A_225, %swap3A_226], %swap3A_229 {strides = array<i32>} : memref<8x128xf32, #tpu.memory_space<vmem>>, vector<1x16xf32>,
    %swap3A_230 = arith.constant 4 : i32
    %swap3A_231 = arith.index_cast %swap3A_230 : i32 to index
    %swap3A_232 = arith.constant 64 : index
    %swap3A_233 = tpu.vector_load %arg9[%swap3A_231, %swap3A_232] {strides = array<i32>} : memref<8x128xf32, #tpu.memory_space<vmem>>, vector<1x16xf32>,
    %swap3A_234 = vector.shape_cast %swap3A_233 : vector<1x16xf32> to vector<16xf32>
    %swap3A_235 = vector.shape_cast %broadcast_in_dim3A_14 : vector<16xf32> to vector<1x16xf32>
    tpu.vector_store %arg9[%swap3A_231, %swap3A_232], %swap3A_235 {strides = array<i32>} : memref<8x128xf32, #tpu.memory_space<vmem>>, vector<1x16xf32>,
    %swap3A_236 = arith.constant 4 : i32
    %swap3A_237 = arith.index_cast %swap3A_236 : i32 to index
    %swap3A_238 = arith.constant 80 : index
    %swap3A_239 = tpu.vector_load %arg9[%swap3A_237, %swap3A_238] {strides = array<i32>} : memref<8x128xf32, #tpu.memory_space<vmem>>, vector<1x16xf32>,
    %swap3A_240 = vector.shape_cast %swap3A_239 : vector<1x16xf32> to vector<16xf32>
    %swap3A_241 = vector.shape_cast %broadcast_in_dim3A_14 : vector<16xf32> to vector<1x16xf32>
    tpu.vector_store %arg9[%swap3A_237, %swap3A_238], %swap3A_241 {strides = array<i32>} : memref<8x128xf32, #tpu.memory_space<vmem>>, vector<1x16xf32>,
    %swap3A_242 = arith.constant 4 : i32
    %swap3A_243 = arith.index_cast %swap3A_242 : i32 to index
    %swap3A_244 = arith.constant 96 : index
    %swap3A_245 = tpu.vector_load %arg9[%swap3A_243, %swap3A_244] {strides = array<i32>} : memref<8x128xf32, #tpu.memory_space<vmem>>, vector<1x16xf32>,
    %swap3A_246 = vector.shape_cast %swap3A_245 : vector<1x16xf32> to vector<16xf32>
    %swap3A_247 = vector.shape_cast %broadcast_in_dim3A_14 : vector<16xf32> to vector<1x16xf32>
    tpu.vector_store %arg9[%swap3A_243, %swap3A_244], %swap3A_247 {strides = array<i32>} : memref<8x128xf32, #tpu.memory_space<vmem>>, vector<1x16xf32>,
    %swap3A_248 = arith.constant 4 : i32
    %swap3A_249 = arith.index_cast %swap3A_248 : i32 to index
    %swap3A_250 = arith.constant 112 : index
    %swap3A_251 = tpu.vector_load %arg9[%swap3A_249, %swap3A_250] {strides = array<i32>} : memref<8x128xf32, #tpu.memory_space<vmem>>, vector<1x16xf32>,
    %swap3A_252 = vector.shape_cast %swap3A_251 : vector<1x16xf32> to vector<16xf32>
    %swap3A_253 = vector.shape_cast %broadcast_in_dim3A_14 : vector<16xf32> to vector<1x16xf32>
    tpu.vector_store %arg9[%swap3A_249, %swap3A_250], %swap3A_253 {strides = array<i32>} : memref<8x128xf32, #tpu.memory_space<vmem>>, vector<1x16xf32>,
    %swap3A_254 = arith.constant 5 : i32
    %swap3A_255 = arith.index_cast %swap3A_254 : i32 to index
    %swap3A_256 = arith.constant 0 : index
    %swap3A_257 = tpu.vector_load %arg9[%swap3A_255, %swap3A_256] {strides = array<i32>} : memref<8x128xf32, #tpu.memory_space<vmem>>, vector<1x16xf32>,
    %swap3A_258 = vector.shape_cast %swap3A_257 : vector<1x16xf32> to vector<16xf32>
    %swap3A_259 = vector.shape_cast %broadcast_in_dim3A_14 : vector<16xf32> to vector<1x16xf32>
    tpu.vector_store %arg9[%swap3A_255, %swap3A_256], %swap3A_259 {strides = array<i32>} : memref<8x128xf32, #tpu.memory_space<vmem>>, vector<1x16xf32>,
    %swap3A_260 = arith.constant 5 : i32
    %swap3A_261 = arith.index_cast %swap3A_260 : i32 to index
    %swap3A_262 = arith.constant 16 : index
    %swap3A_263 = tpu.vector_load %arg9[%swap3A_261, %swap3A_262] {strides = array<i32>} : memref<8x128xf32, #tpu.memory_space<vmem>>, vector<1x16xf32>,
    %swap3A_264 = vector.shape_cast %swap3A_263 : vector<1x16xf32> to vector<16xf32>
    %swap3A_265 = vector.shape_cast %broadcast_in_dim3A_14 : vector<16xf32> to vector<1x16xf32>
    tpu.vector_store %arg9[%swap3A_261, %swap3A_262], %swap3A_265 {strides = array<i32>} : memref<8x128xf32, #tpu.memory_space<vmem>>, vector<1x16xf32>,
    %swap3A_266 = arith.constant 5 : i32
    %swap3A_267 = arith.index_cast %swap3A_266 : i32 to index
    %swap3A_268 = arith.constant 32 : index
    %swap3A_269 = tpu.vector_load %arg9[%swap3A_267, %swap3A_268] {strides = array<i32>} : memref<8x128xf32, #tpu.memory_space<vmem>>, vector<1x16xf32>,
    %swap3A_270 = vector.shape_cast %swap3A_269 : vector<1x16xf32> to vector<16xf32>
    %swap3A_271 = vector.shape_cast %broadcast_in_dim3A_14 : vector<16xf32> to vector<1x16xf32>
    tpu.vector_store %arg9[%swap3A_267, %swap3A_268], %swap3A_271 {strides = array<i32>} : memref<8x128xf32, #tpu.memory_space<vmem>>, vector<1x16xf32>,
    %swap3A_272 = arith.constant 5 : i32
    %swap3A_273 = arith.index_cast %swap3A_272 : i32 to index
    %swap3A_274 = arith.constant 48 : index
    %swap3A_275 = tpu.vector_load %arg9[%swap3A_273, %swap3A_274] {strides = array<i32>} : memref<8x128xf32, #tpu.memory_space<vmem>>, vector<1x16xf32>,
    %swap3A_276 = vector.shape_cast %swap3A_275 : vector<1x16xf32> to vector<16xf32>
    %swap3A_277 = vector.shape_cast %broadcast_in_dim3A_14 : vector<16xf32> to vector<1x16xf32>
    tpu.vector_store %arg9[%swap3A_273, %swap3A_274], %swap3A_277 {strides = array<i32>} : memref<8x128xf32, #tpu.memory_space<vmem>>, vector<1x16xf32>,
    %swap3A_278 = arith.constant 5 : i32
    %swap3A_279 = arith.index_cast %swap3A_278 : i32 to index
    %swap3A_280 = arith.constant 64 : index
    %swap3A_281 = tpu.vector_load %arg9[%swap3A_279, %swap3A_280] {strides = array<i32>} : memref<8x128xf32, #tpu.memory_space<vmem>>, vector<1x16xf32>,
    %swap3A_282 = vector.shape_cast %swap3A_281 : vector<1x16xf32> to vector<16xf32>
    %swap3A_283 = vector.shape_cast %broadcast_in_dim3A_14 : vector<16xf32> to vector<1x16xf32>
    tpu.vector_store %arg9[%swap3A_279, %swap3A_280], %swap3A_283 {strides = array<i32>} : memref<8x128xf32, #tpu.memory_space<vmem>>, vector<1x16xf32>,
    %swap3A_284 = arith.constant 5 : i32
    %swap3A_285 = arith.index_cast %swap3A_284 : i32 to index
    %swap3A_286 = arith.constant 80 : index
    %swap3A_287 = tpu.vector_load %arg9[%swap3A_285, %swap3A_286] {strides = array<i32>} : memref<8x128xf32, #tpu.memory_space<vmem>>, vector<1x16xf32>,
    %swap3A_288 = vector.shape_cast %swap3A_287 : vector<1x16xf32> to vector<16xf32>
    %swap3A_289 = vector.shape_cast %broadcast_in_dim3A_14 : vector<16xf32> to vector<1x16xf32>
    tpu.vector_store %arg9[%swap3A_285, %swap3A_286], %swap3A_289 {strides = array<i32>} : memref<8x128xf32, #tpu.memory_space<vmem>>, vector<1x16xf32>,
    %swap3A_290 = arith.constant 5 : i32
    %swap3A_291 = arith.index_cast %swap3A_290 : i32 to index
    %swap3A_292 = arith.constant 96 : index
    %swap3A_293 = tpu.vector_load %arg9[%swap3A_291, %swap3A_292] {strides = array<i32>} : memref<8x128xf32, #tpu.memory_space<vmem>>, vector<1x16xf32>,
    %swap3A_294 = vector.shape_cast %swap3A_293 : vector<1x16xf32> to vector<16xf32>
    %swap3A_295 = vector.shape_cast %broadcast_in_dim3A_14 : vector<16xf32> to vector<1x16xf32>
    tpu.vector_store %arg9[%swap3A_291, %swap3A_292], %swap3A_295 {strides = array<i32>} : memref<8x128xf32, #tpu.memory_space<vmem>>, vector<1x16xf32>,
    %swap3A_296 = arith.constant 5 : i32
    %swap3A_297 = arith.index_cast %swap3A_296 : i32 to index
    %swap3A_298 = arith.constant 112 : index
    %swap3A_299 = tpu.vector_load %arg9[%swap3A_297, %swap3A_298] {strides = array<i32>} : memref<8x128xf32, #tpu.memory_space<vmem>>, vector<1x16xf32>,
    %swap3A_300 = vector.shape_cast %swap3A_299 : vector<1x16xf32> to vector<16xf32>
    %swap3A_301 = vector.shape_cast %broadcast_in_dim3A_14 : vector<16xf32> to vector<1x16xf32>
    tpu.vector_store %arg9[%swap3A_297, %swap3A_298], %swap3A_301 {strides = array<i32>} : memref<8x128xf32, #tpu.memory_space<vmem>>, vector<1x16xf32>,
    %swap3A_302 = arith.constant 6 : i32
    %swap3A_303 = arith.index_cast %swap3A_302 : i32 to index
    %swap3A_304 = arith.constant 0 : index
    %swap3A_305 = tpu.vector_load %arg9[%swap3A_303, %swap3A_304] {strides = array<i32>} : memref<8x128xf32, #tpu.memory_space<vmem>>, vector<1x16xf32>,
    %swap3A_306 = vector.shape_cast %swap3A_305 : vector<1x16xf32> to vector<16xf32>
    %swap3A_307 = vector.shape_cast %broadcast_in_dim3A_14 : vector<16xf32> to vector<1x16xf32>
    tpu.vector_store %arg9[%swap3A_303, %swap3A_304], %swap3A_307 {strides = array<i32>} : memref<8x128xf32, #tpu.memory_space<vmem>>, vector<1x16xf32>,
    %swap3A_308 = arith.constant 6 : i32
    %swap3A_309 = arith.index_cast %swap3A_308 : i32 to index
    %swap3A_310 = arith.constant 16 : index
    %swap3A_311 = tpu.vector_load %arg9[%swap3A_309, %swap3A_310] {strides = array<i32>} : memref<8x128xf32, #tpu.memory_space<vmem>>, vector<1x16xf32>,
    %swap3A_312 = vector.shape_cast %swap3A_311 : vector<1x16xf32> to vector<16xf32>
    %swap3A_313 = vector.shape_cast %broadcast_in_dim3A_14 : vector<16xf32> to vector<1x16xf32>
    tpu.vector_store %arg9[%swap3A_309, %swap3A_310], %swap3A_313 {strides = array<i32>} : memref<8x128xf32, #tpu.memory_space<vmem>>, vector<1x16xf32>,
    %swap3A_314 = arith.constant 6 : i32
    %swap3A_315 = arith.index_cast %swap3A_314 : i32 to index
    %swap3A_316 = arith.constant 32 : index
    %swap3A_317 = tpu.vector_load %arg9[%swap3A_315, %swap3A_316] {strides = array<i32>} : memref<8x128xf32, #tpu.memory_space<vmem>>, vector<1x16xf32>,
    %swap3A_318 = vector.shape_cast %swap3A_317 : vector<1x16xf32> to vector<16xf32>
    %swap3A_319 = vector.shape_cast %broadcast_in_dim3A_14 : vector<16xf32> to vector<1x16xf32>
    tpu.vector_store %arg9[%swap3A_315, %swap3A_316], %swap3A_319 {strides = array<i32>} : memref<8x128xf32, #tpu.memory_space<vmem>>, vector<1x16xf32>,
    %swap3A_320 = arith.constant 6 : i32
    %swap3A_321 = arith.index_cast %swap3A_320 : i32 to index
    %swap3A_322 = arith.constant 48 : index
    %swap3A_323 = tpu.vector_load %arg9[%swap3A_321, %swap3A_322] {strides = array<i32>} : memref<8x128xf32, #tpu.memory_space<vmem>>, vector<1x16xf32>,
    %swap3A_324 = vector.shape_cast %swap3A_323 : vector<1x16xf32> to vector<16xf32>
    %swap3A_325 = vector.shape_cast %broadcast_in_dim3A_14 : vector<16xf32> to vector<1x16xf32>
    tpu.vector_store %arg9[%swap3A_321, %swap3A_322], %swap3A_325 {strides = array<i32>} : memref<8x128xf32, #tpu.memory_space<vmem>>, vector<1x16xf32>,
    %swap3A_326 = arith.constant 6 : i32
    %swap3A_327 = arith.index_cast %swap3A_326 : i32 to index
    %swap3A_328 = arith.constant 64 : index
    %swap3A_329 = tpu.vector_load %arg9[%swap3A_327, %swap3A_328] {strides = array<i32>} : memref<8x128xf32, #tpu.memory_space<vmem>>, vector<1x16xf32>,
    %swap3A_330 = vector.shape_cast %swap3A_329 : vector<1x16xf32> to vector<16xf32>
    %swap3A_331 = vector.shape_cast %broadcast_in_dim3A_14 : vector<16xf32> to vector<1x16xf32>
    tpu.vector_store %arg9[%swap3A_327, %swap3A_328], %swap3A_331 {strides = array<i32>} : memref<8x128xf32, #tpu.memory_space<vmem>>, vector<1x16xf32>,
    %swap3A_332 = arith.constant 6 : i32
    %swap3A_333 = arith.index_cast %swap3A_332 : i32 to index
    %swap3A_334 = arith.constant 80 : index
    %swap3A_335 = tpu.vector_load %arg9[%swap3A_333, %swap3A_334] {strides = array<i32>} : memref<8x128xf32, #tpu.memory_space<vmem>>, vector<1x16xf32>,
    %swap3A_336 = vector.shape_cast %swap3A_335 : vector<1x16xf32> to vector<16xf32>
    %swap3A_337 = vector.shape_cast %broadcast_in_dim3A_14 : vector<16xf32> to vector<1x16xf32>
    tpu.vector_store %arg9[%swap3A_333, %swap3A_334], %swap3A_337 {strides = array<i32>} : memref<8x128xf32, #tpu.memory_space<vmem>>, vector<1x16xf32>,
    %swap3A_338 = arith.constant 6 : i32
    %swap3A_339 = arith.index_cast %swap3A_338 : i32 to index
    %swap3A_340 = arith.constant 96 : index
    %swap3A_341 = tpu.vector_load %arg9[%swap3A_339, %swap3A_340] {strides = array<i32>} : memref<8x128xf32, #tpu.memory_space<vmem>>, vector<1x16xf32>,
    %swap3A_342 = vector.shape_cast %swap3A_341 : vector<1x16xf32> to vector<16xf32>
    %swap3A_343 = vector.shape_cast %broadcast_in_dim3A_14 : vector<16xf32> to vector<1x16xf32>
    tpu.vector_store %arg9[%swap3A_339, %swap3A_340], %swap3A_343 {strides = array<i32>} : memref<8x128xf32, #tpu.memory_space<vmem>>, vector<1x16xf32>,
    %swap3A_344 = arith.constant 6 : i32
    %swap3A_345 = arith.index_cast %swap3A_344 : i32 to index
    %swap3A_346 = arith.constant 112 : index
    %swap3A_347 = tpu.vector_load %arg9[%swap3A_345, %swap3A_346] {strides = array<i32>} : memref<8x128xf32, #tpu.memory_space<vmem>>, vector<1x16xf32>,
    %swap3A_348 = vector.shape_cast %swap3A_347 : vector<1x16xf32> to vector<16xf32>
    %swap3A_349 = vector.shape_cast %broadcast_in_dim3A_14 : vector<16xf32> to vector<1x16xf32>
    tpu.vector_store %arg9[%swap3A_345, %swap3A_346], %swap3A_349 {strides = array<i32>} : memref<8x128xf32, #tpu.memory_space<vmem>>, vector<1x16xf32>,
    %swap3A_350 = arith.constant 7 : i32
    %swap3A_351 = arith.index_cast %swap3A_350 : i32 to index
    %swap3A_352 = arith.constant 0 : index
    %swap3A_353 = tpu.vector_load %arg9[%swap3A_351, %swap3A_352] {strides = array<i32>} : memref<8x128xf32, #tpu.memory_space<vmem>>, vector<1x16xf32>,
    %swap3A_354 = vector.shape_cast %swap3A_353 : vector<1x16xf32> to vector<16xf32>
    %swap3A_355 = vector.shape_cast %broadcast_in_dim3A_14 : vector<16xf32> to vector<1x16xf32>
    tpu.vector_store %arg9[%swap3A_351, %swap3A_352], %swap3A_355 {strides = array<i32>} : memref<8x128xf32, #tpu.memory_space<vmem>>, vector<1x16xf32>,
    %swap3A_356 = arith.constant 7 : i32
    %swap3A_357 = arith.index_cast %swap3A_356 : i32 to index
    %swap3A_358 = arith.constant 16 : index
    %swap3A_359 = tpu.vector_load %arg9[%swap3A_357, %swap3A_358] {strides = array<i32>} : memref<8x128xf32, #tpu.memory_space<vmem>>, vector<1x16xf32>,
    %swap3A_360 = vector.shape_cast %swap3A_359 : vector<1x16xf32> to vector<16xf32>
    %swap3A_361 = vector.shape_cast %broadcast_in_dim3A_14 : vector<16xf32> to vector<1x16xf32>
    tpu.vector_store %arg9[%swap3A_357, %swap3A_358], %swap3A_361 {strides = array<i32>} : memref<8x128xf32, #tpu.memory_space<vmem>>, vector<1x16xf32>,
    %swap3A_362 = arith.constant 7 : i32
    %swap3A_363 = arith.index_cast %swap3A_362 : i32 to index
    %swap3A_364 = arith.constant 32 : index
    %swap3A_365 = tpu.vector_load %arg9[%swap3A_363, %swap3A_364] {strides = array<i32>} : memref<8x128xf32, #tpu.memory_space<vmem>>, vector<1x16xf32>,
    %swap3A_366 = vector.shape_cast %swap3A_365 : vector<1x16xf32> to vector<16xf32>
    %swap3A_367 = vector.shape_cast %broadcast_in_dim3A_14 : vector<16xf32> to vector<1x16xf32>
    tpu.vector_store %arg9[%swap3A_363, %swap3A_364], %swap3A_367 {strides = array<i32>} : memref<8x128xf32, #tpu.memory_space<vmem>>, vector<1x16xf32>,
    %swap3A_368 = arith.constant 7 : i32
    %swap3A_369 = arith.index_cast %swap3A_368 : i32 to index
    %swap3A_370 = arith.constant 48 : index
    %swap3A_371 = tpu.vector_load %arg9[%swap3A_369, %swap3A_370] {strides = array<i32>} : memref<8x128xf32, #tpu.memory_space<vmem>>, vector<1x16xf32>,
    %swap3A_372 = vector.shape_cast %swap3A_371 : vector<1x16xf32> to vector<16xf32>
    %swap3A_373 = vector.shape_cast %broadcast_in_dim3A_14 : vector<16xf32> to vector<1x16xf32>
    tpu.vector_store %arg9[%swap3A_369, %swap3A_370], %swap3A_373 {strides = array<i32>} : memref<8x128xf32, #tpu.memory_space<vmem>>, vector<1x16xf32>,
    %swap3A_374 = arith.constant 7 : i32
    %swap3A_375 = arith.index_cast %swap3A_374 : i32 to index
    %swap3A_376 = arith.constant 64 : index
    %swap3A_377 = tpu.vector_load %arg9[%swap3A_375, %swap3A_376] {strides = array<i32>} : memref<8x128xf32, #tpu.memory_space<vmem>>, vector<1x16xf32>,
    %swap3A_378 = vector.shape_cast %swap3A_377 : vector<1x16xf32> to vector<16xf32>
    %swap3A_379 = vector.shape_cast %broadcast_in_dim3A_14 : vector<16xf32> to vector<1x16xf32>
    tpu.vector_store %arg9[%swap3A_375, %swap3A_376], %swap3A_379 {strides = array<i32>} : memref<8x128xf32, #tpu.memory_space<vmem>>, vector<1x16xf32>,
    %swap3A_380 = arith.constant 7 : i32
    %swap3A_381 = arith.index_cast %swap3A_380 : i32 to index
    %swap3A_382 = arith.constant 80 : index
    %swap3A_383 = tpu.vector_load %arg9[%swap3A_381, %swap3A_382] {strides = array<i32>} : memref<8x128xf32, #tpu.memory_space<vmem>>, vector<1x16xf32>,
    %swap3A_384 = vector.shape_cast %swap3A_383 : vector<1x16xf32> to vector<16xf32>
    %swap3A_385 = vector.shape_cast %broadcast_in_dim3A_14 : vector<16xf32> to vector<1x16xf32>
    tpu.vector_store %arg9[%swap3A_381, %swap3A_382], %swap3A_385 {strides = array<i32>} : memref<8x128xf32, #tpu.memory_space<vmem>>, vector<1x16xf32>,
    %swap3A_386 = arith.constant 7 : i32
    %swap3A_387 = arith.index_cast %swap3A_386 : i32 to index
    %swap3A_388 = arith.constant 96 : index
    %swap3A_389 = tpu.vector_load %arg9[%swap3A_387, %swap3A_388] {strides = array<i32>} : memref<8x128xf32, #tpu.memory_space<vmem>>, vector<1x16xf32>,
    %swap3A_390 = vector.shape_cast %swap3A_389 : vector<1x16xf32> to vector<16xf32>
    %swap3A_391 = vector.shape_cast %broadcast_in_dim3A_14 : vector<16xf32> to vector<1x16xf32>
    tpu.vector_store %arg9[%swap3A_387, %swap3A_388], %swap3A_391 {strides = array<i32>} : memref<8x128xf32, #tpu.memory_space<vmem>>, vector<1x16xf32>,
    %swap3A_392 = arith.constant 7 : i32
    %swap3A_393 = arith.index_cast %swap3A_392 : i32 to index
    %swap3A_394 = arith.constant 112 : index
    %swap3A_395 = tpu.vector_load %arg9[%swap3A_393, %swap3A_394] {strides = array<i32>} : memref<8x128xf32, #tpu.memory_space<vmem>>, vector<1x16xf32>,
    %swap3A_396 = vector.shape_cast %swap3A_395 : vector<1x16xf32> to vector<16xf32>
    %swap3A_397 = vector.shape_cast %broadcast_in_dim3A_14 : vector<16xf32> to vector<1x16xf32>
    tpu.vector_store %arg9[%swap3A_393, %swap3A_394], %swap3A_397 {strides = array<i32>} : memref<8x128xf32, #tpu.memory_space<vmem>>, vector<1x16xf32>,
    %mul3A_398 = arith.constant 640 : i32
    %mul3A_399 = arith.muli %arg1, %mul3A_398 : i32
    %scan3A = arith.constant 0 : i32
    %scan3A_400 = arith.constant 0 : i32
    %scan3A_401 = arith.constant 80 : i32
    %scan3A_402 = arith.addi %scan3A_400, %scan3A_401 : i32
    %scan3A_403 = arith.constant 1 : i32
    scf.for %scan3A_457 = %scan3A_400 to %scan3A_402 step %scan3A_403  : i32 {
      %mul3A_458 = arith.constant 8 : i32
      %mul3A_459 = arith.muli %scan3A_457, %mul3A_458 : i32
      %add3A_460 = arith.addi %mul3A_399, %mul3A_459 : i32
      %dma_start3A_461 = arith.constant 0 : i32
      %dma_start3A_462 = tpu.memref_slice %arg10[%add3A_460, %dma_start3A_461] : memref<10240x128xf32, #tpu.memory_space<vmem_shared>> -> memref<8x128xf32, #tpu.memory_space<vmem_shared>>
      %dma_start3A_463 = arith.constant 0 : i32
      %dma_start3A_464 = tpu.memref_slice %arg10[%add3A_460, %dma_start3A_463] : memref<10240x128xf32, #tpu.memory_space<vmem_shared>> -> memref<8x128xf32, #tpu.memory_space<vmem_shared>>
      tpu.enqueue_dma source(%arg9 : memref<8x128xf32, #tpu.memory_space<vmem>>) target(%dma_start3A_464 : memref<8x128xf32, #tpu.memory_space<vmem_shared>>) target_semaphore(%arg13 : memref<!tpu.dma_semaphore, #tpu.memory_space<semaphore_mem>>)
    }
    %scan3A_404 = arith.constant 80 : i32
    %dma_wait3A = arith.constant 1 : i32
    %dma_wait3A_405 = tpu.memref_slice %arg3[%dma_wait3A, %mul3A_2] : memref<2x320000xi32, #tpu.memory_space<hbm>> -> memref<1x10000xi32, #tpu.memory_space<hbm>>
    %dma_wait3A_406 = tpu.memref_squeeze %dma_wait3A_405 : memref<1x10000xi32, #tpu.memory_space<hbm>> -> memref<10000xi32, #tpu.memory_space<hbm>>
    %dma_wait3A_407 = tpu.memref_slice %arg3[%dma_wait3A, %mul3A_2] : memref<2x320000xi32, #tpu.memory_space<hbm>> -> memref<1x10000xi32, #tpu.memory_space<hbm>>
    %dma_wait3A_408 = tpu.memref_squeeze %dma_wait3A_407 : memref<1x10000xi32, #tpu.memory_space<hbm>> -> memref<10000xi32, #tpu.memory_space<hbm>>
    tpu.wait_dma2 semaphore(%arg11 : memref<!tpu.dma_semaphore, #tpu.memory_space<semaphore_mem>>) src(%dma_wait3A_408 : memref<10000xi32, #tpu.memory_space<hbm>>) dst(%arg5 : memref<10000xi32, #tpu.memory_space<vmem>>)
    %dma_wait3A_409 = arith.constant 0 : i32
    %dma_wait3A_410 = tpu.memref_slice %arg3[%dma_wait3A_409, %mul3A_8] : memref<2x320000xi32, #tpu.memory_space<hbm>> -> memref<1x10000xi32, #tpu.memory_space<hbm>>
    %dma_wait3A_411 = tpu.memref_squeeze %dma_wait3A_410 : memref<1x10000xi32, #tpu.memory_space<hbm>> -> memref<10000xi32, #tpu.memory_space<hbm>>
    %dma_wait3A_412 = tpu.memref_slice %arg3[%dma_wait3A_409, %mul3A_8] : memref<2x320000xi32, #tpu.memory_space<hbm>> -> memref<1x10000xi32, #tpu.memory_space<hbm>>
    %dma_wait3A_413 = tpu.memref_squeeze %dma_wait3A_412 : memref<1x10000xi32, #tpu.memory_space<hbm>> -> memref<10000xi32, #tpu.memory_space<hbm>>
    tpu.wait_dma2 semaphore(%arg12 : memref<!tpu.dma_semaphore, #tpu.memory_space<semaphore_mem>>) src(%dma_wait3A_413 : memref<10000xi32, #tpu.memory_space<hbm>>) dst(%arg6 : memref<10000xi32, #tpu.memory_space<vmem>>)
    %dma_start3A_414 = arith.constant 0 : i32
    %dma_start3A_415 = tpu.memref_slice %arg5[%dma_start3A_414] : memref<10000xi32, #tpu.memory_space<vmem>> -> memref<80xi32, #tpu.memory_space<vmem>>
    %dma_start3A_416 = arith.constant 0 : i32
    %dma_start3A_417 = arith.constant 0 : i32
    %dma_start3A_418 = tpu.memref_slice %arg2[%dma_start3A_416, %dma_start3A_417] : memref<10000x128xf32, #tpu.memory_space<hbm>> -> memref<10000x128xf32, #tpu.memory_space<hbm>>
    tpu.enqueue_indirect_dma source(%dma_start3A_418 : memref<10000x128xf32, #tpu.memory_space<hbm>>) target(%arg7 : memref<80x128xf32, #tpu.memory_space<vmem>>) offsets(%dma_start3A_415 : memref<80xi32, #tpu.memory_space<vmem>>) semaphore(%arg11 : memref<!tpu.dma_semaphore, #tpu.memory_space<semaphore_mem>>)
    %dma_start3A_419 = arith.constant 80 : i32
    %dma_start3A_420 = tpu.memref_slice %arg5[%dma_start3A_419] : memref<10000xi32, #tpu.memory_space<vmem>> -> memref<80xi32, #tpu.memory_space<vmem>>
    %dma_start3A_421 = arith.constant 0 : i32
    %dma_start3A_422 = arith.constant 0 : i32
    %dma_start3A_423 = tpu.memref_slice %arg2[%dma_start3A_421, %dma_start3A_422] : memref<10000x128xf32, #tpu.memory_space<hbm>> -> memref<10000x128xf32, #tpu.memory_space<hbm>>
    tpu.enqueue_indirect_dma source(%dma_start3A_423 : memref<10000x128xf32, #tpu.memory_space<hbm>>) target(%arg8 : memref<80x128xf32, #tpu.memory_space<vmem>>) offsets(%dma_start3A_420 : memref<80xi32, #tpu.memory_space<vmem>>) semaphore(%arg12 : memref<!tpu.dma_semaphore, #tpu.memory_space<semaphore_mem>>)
    %scan3A_424 = arith.constant 0 : i32
    %scan3A_425 = arith.constant 0 : i32
    %scan3A_426 = arith.constant 80 : i32
    %scan3A_427 = arith.addi %scan3A_425, %scan3A_426 : i32
    %scan3A_428 = arith.constant 1 : i32
    scf.for %scan3A_457 = %scan3A_425 to %scan3A_427 step %scan3A_428  : i32 {
      %mul3A_458 = arith.constant 8 : i32
      %mul3A_459 = arith.muli %scan3A_457, %mul3A_458 : i32
      %add3A_460 = arith.addi %mul3A_399, %mul3A_459 : i32
      %dma_wait3A_461 = arith.constant 0 : i32
      %dma_wait3A_462 = tpu.memref_slice %arg10[%add3A_460, %dma_wait3A_461] : memref<10240x128xf32, #tpu.memory_space<vmem_shared>> -> memref<8x128xf32, #tpu.memory_space<vmem_shared>>
      %dma_wait3A_463 = arith.constant 0 : i32
      %dma_wait3A_464 = tpu.memref_slice %arg10[%add3A_460, %dma_wait3A_463] : memref<10240x128xf32, #tpu.memory_space<vmem_shared>> -> memref<8x128xf32, #tpu.memory_space<vmem_shared>>
      tpu.wait_dma2 semaphore(%arg13 : memref<!tpu.dma_semaphore, #tpu.memory_space<semaphore_mem>>) src(%arg9 : memref<8x128xf32, #tpu.memory_space<vmem>>) dst(%dma_wait3A_464 : memref<8x128xf32, #tpu.memory_space<vmem_shared>>)
    }
    %scan3A_429 = arith.constant 80 : i32
    %barrier3A = arith.constant 0 : index
    tpu.barrier barrier_id(%barrier3A)
    %scan3A_430 = arith.constant 0 : i32
    %scan3A_431 = arith.constant 0 : i32
    %scan3A_432 = arith.constant 61 : i32
    %scan3A_433 = arith.addi %scan3A_431, %scan3A_432 : i32
    %scan3A_434 = arith.constant 1 : i32
    scf.for %scan3A_457 = %scan3A_431 to %scan3A_433 step %scan3A_434  : i32 {
      %mul3A_458 = arith.constant 2 : i32
      %mul3A_459 = arith.muli %mul3A_458, %scan3A_457 : i32
      %mul3A_460 = arith.constant 80 : i32
      %mul3A_461 = arith.muli %mul3A_459, %mul3A_460 : i32
      %dma_wait3A_462 = tpu.memref_slice %arg5[%mul3A_461] : memref<10000xi32, #tpu.memory_space<vmem>> -> memref<80xi32, #tpu.memory_space<vmem>>
      %dma_wait3A_463 = arith.constant 0 : i32
      %dma_wait3A_464 = arith.constant 0 : i32
      %dma_wait3A_465 = tpu.memref_slice %arg2[%dma_wait3A_463, %dma_wait3A_464] : memref<10000x128xf32, #tpu.memory_space<hbm>> -> memref<10000x128xf32, #tpu.memory_space<hbm>>
      tpu.wait_indirect_dma semaphore(%arg11 : memref<!tpu.dma_semaphore, #tpu.memory_space<semaphore_mem>>) src(%dma_wait3A_465 : memref<10000x128xf32, #tpu.memory_space<hbm>>) dst(%arg7 : memref<80x128xf32, #tpu.memory_space<vmem>>)
      %mul3A_466 = arith.constant 80 : i32
      %mul3A_467 = arith.muli %mul3A_459, %mul3A_466 : i32
      "tpu.region"() ({
        %run_scoped3A = tpu.sem_alloc : memref<!tpu.dma_semaphore, #tpu.memory_space<semaphore_mem>>
        %dma_start3A_496 = tpu.memref_slice %arg6[%mul3A_467] : memref<10000xi32, #tpu.memory_space<vmem>> -> memref<80xi32, #tpu.memory_space<vmem>>
        %dma_start3A_497 = arith.constant 0 : i32
        %dma_start3A_498 = arith.constant 0 : i32
        %dma_start3A_499 = tpu.memref_slice %arg10[%dma_start3A_497, %dma_start3A_498] : memref<10240x128xf32, #tpu.memory_space<vmem_shared>> -> memref<10240x128xf32, #tpu.memory_space<vmem_shared>>
        tpu.enqueue_indirect_dma source(%arg7 : memref<80x128xf32, #tpu.memory_space<vmem>>) target(%dma_start3A_499 : memref<10240x128xf32, #tpu.memory_space<vmem_shared>>) offsets(%dma_start3A_496 : memref<80xi32, #tpu.memory_space<vmem>>) semaphore(%run_scoped3A : memref<!tpu.dma_semaphore, #tpu.memory_space<semaphore_mem>>) {add = true}
        %dma_wait3A_500 = tpu.memref_slice %arg6[%mul3A_467] : memref<10000xi32, #tpu.memory_space<vmem>> -> memref<80xi32, #tpu.memory_space<vmem>>
        %dma_wait3A_501 = arith.constant 0 : i32
        %dma_wait3A_502 = arith.constant 0 : i32
        %dma_wait3A_503 = tpu.memref_slice %arg10[%dma_wait3A_501, %dma_wait3A_502] : memref<10240x128xf32, #tpu.memory_space<vmem_shared>> -> memref<10240x128xf32, #tpu.memory_space<vmem_shared>>
        tpu.wait_indirect_dma semaphore(%run_scoped3A : memref<!tpu.dma_semaphore, #tpu.memory_space<semaphore_mem>>) src(%arg7 : memref<80x128xf32, #tpu.memory_space<vmem>>) dst(%dma_wait3A_503 : memref<10240x128xf32, #tpu.memory_space<vmem_shared>>)
        tpu.yield
      }) : () -> ()
      %add3A_468 = arith.constant 2 : i32
      %add3A_469 = arith.addi %mul3A_459, %add3A_468 : i32
      %mul3A_470 = arith.constant 80 : i32
      %mul3A_471 = arith.muli %add3A_469, %mul3A_470 : i32
      %dma_start3A_472 = tpu.memref_slice %arg5[%mul3A_471] : memref<10000xi32, #tpu.memory_space<vmem>> -> memref<80xi32, #tpu.memory_space<vmem>>
      %dma_start3A_473 = arith.constant 0 : i32
      %dma_start3A_474 = arith.constant 0 : i32
      %dma_start3A_475 = tpu.memref_slice %arg2[%dma_start3A_473, %dma_start3A_474] : memref<10000x128xf32, #tpu.memory_space<hbm>> -> memref<10000x128xf32, #tpu.memory_space<hbm>>
      tpu.enqueue_indirect_dma source(%dma_start3A_475 : memref<10000x128xf32, #tpu.memory_space<hbm>>) target(%arg7 : memref<80x128xf32, #tpu.memory_space<vmem>>) offsets(%dma_start3A_472 : memref<80xi32, #tpu.memory_space<vmem>>) semaphore(%arg11 : memref<!tpu.dma_semaphore, #tpu.memory_space<semaphore_mem>>)
      %add3A_476 = arith.constant 1 : i32
      %add3A_477 = arith.addi %mul3A_459, %add3A_476 : i32
      %mul3A_478 = arith.constant 80 : i32
      %mul3A_479 = arith.muli %add3A_477, %mul3A_478 : i32
      %dma_wait3A_480 = tpu.memref_slice %arg5[%mul3A_479] : memref<10000xi32, #tpu.memory_space<vmem>> -> memref<80xi32, #tpu.memory_space<vmem>>
      %dma_wait3A_481 = arith.constant 0 : i32
      %dma_wait3A_482 = arith.constant 0 : i32
      %dma_wait3A_483 = tpu.memref_slice %arg2[%dma_wait3A_481, %dma_wait3A_482] : memref<10000x128xf32, #tpu.memory_space<hbm>> -> memref<10000x128xf32, #tpu.memory_space<hbm>>
      tpu.wait_indirect_dma semaphore(%arg12 : memref<!tpu.dma_semaphore, #tpu.memory_space<semaphore_mem>>) src(%dma_wait3A_483 : memref<10000x128xf32, #tpu.memory_space<hbm>>) dst(%arg8 : memref<80x128xf32, #tpu.memory_space<vmem>>)
      %add3A_484 = arith.constant 1 : i32
      %add3A_485 = arith.addi %mul3A_459, %add3A_484 : i32
      %mul3A_486 = arith.constant 80 : i32
      %mul3A_487 = arith.muli %add3A_485, %mul3A_486 : i32
      "tpu.region"() ({
        %run_scoped3A = tpu.sem_alloc : memref<!tpu.dma_semaphore, #tpu.memory_space<semaphore_mem>>
        %dma_start3A_496 = tpu.memref_slice %arg6[%mul3A_487] : memref<10000xi32, #tpu.memory_space<vmem>> -> memref<80xi32, #tpu.memory_space<vmem>>
        %dma_start3A_497 = arith.constant 0 : i32
        %dma_start3A_498 = arith.constant 0 : i32
        %dma_start3A_499 = tpu.memref_slice %arg10[%dma_start3A_497, %dma_start3A_498] : memref<10240x128xf32, #tpu.memory_space<vmem_shared>> -> memref<10240x128xf32, #tpu.memory_space<vmem_shared>>
        tpu.enqueue_indirect_dma source(%arg8 : memref<80x128xf32, #tpu.memory_space<vmem>>) target(%dma_start3A_499 : memref<10240x128xf32, #tpu.memory_space<vmem_shared>>) offsets(%dma_start3A_496 : memref<80xi32, #tpu.memory_space<vmem>>) semaphore(%run_scoped3A : memref<!tpu.dma_semaphore, #tpu.memory_space<semaphore_mem>>) {add = true}
        %dma_wait3A_500 = tpu.memref_slice %arg6[%mul3A_487] : memref<10000xi32, #tpu.memory_space<vmem>> -> memref<80xi32, #tpu.memory_space<vmem>>
        %dma_wait3A_501 = arith.constant 0 : i32
        %dma_wait3A_502 = arith.constant 0 : i32
        %dma_wait3A_503 = tpu.memref_slice %arg10[%dma_wait3A_501, %dma_wait3A_502] : memref<10240x128xf32, #tpu.memory_space<vmem_shared>> -> memref<10240x128xf32, #tpu.memory_space<vmem_shared>>
        tpu.wait_indirect_dma semaphore(%run_scoped3A : memref<!tpu.dma_semaphore, #tpu.memory_space<semaphore_mem>>) src(%arg8 : memref<80x128xf32, #tpu.memory_space<vmem>>) dst(%dma_wait3A_503 : memref<10240x128xf32, #tpu.memory_space<vmem_shared>>)
        tpu.yield
      }) : () -> ()
      %add3A_488 = arith.constant 3 : i32
      %add3A_489 = arith.addi %mul3A_459, %add3A_488 : i32
      %mul3A_490 = arith.constant 80 : i32
      %mul3A_491 = arith.muli %add3A_489, %mul3A_490 : i32
      %dma_start3A_492 = tpu.memref_slice %arg5[%mul3A_491] : memref<10000xi32, #tpu.memory_space<vmem>> -> memref<80xi32, #tpu.memory_space<vmem>>
      %dma_start3A_493 = arith.constant 0 : i32
      %dma_start3A_494 = arith.constant 0 : i32
      %dma_start3A_495 = tpu.memref_slice %arg2[%dma_start3A_493, %dma_start3A_494] : memref<10000x128xf32, #tpu.memory_space<hbm>> -> memref<10000x128xf32, #tpu.memory_space<hbm>>
      tpu.enqueue_indirect_dma source(%dma_start3A_495 : memref<10000x128xf32, #tpu.memory_space<hbm>>) target(%arg8 : memref<80x128xf32, #tpu.memory_space<vmem>>) offsets(%dma_start3A_492 : memref<80xi32, #tpu.memory_space<vmem>>) semaphore(%arg12 : memref<!tpu.dma_semaphore, #tpu.memory_space<semaphore_mem>>)
    }
    %scan3A_435 = arith.constant 61 : i32
    %dma_wait3A_436 = arith.constant 9760 : i32
    %dma_wait3A_437 = tpu.memref_slice %arg5[%dma_wait3A_436] : memref<10000xi32, #tpu.memory_space<vmem>> -> memref<80xi32, #tpu.memory_space<vmem>>
    %dma_wait3A_438 = arith.constant 0 : i32
    %dma_wait3A_439 = arith.constant 0 : i32
    %dma_wait3A_440 = tpu.memref_slice %arg2[%dma_wait3A_438, %dma_wait3A_439] : memref<10000x128xf32, #tpu.memory_space<hbm>> -> memref<10000x128xf32, #tpu.memory_space<hbm>>
    tpu.wait_indirect_dma semaphore(%arg11 : memref<!tpu.dma_semaphore, #tpu.memory_space<semaphore_mem>>) src(%dma_wait3A_440 : memref<10000x128xf32, #tpu.memory_space<hbm>>) dst(%arg7 : memref<80x128xf32, #tpu.memory_space<vmem>>)
    "tpu.region"() ({
      %run_scoped3A = tpu.sem_alloc : memref<!tpu.dma_semaphore, #tpu.memory_space<semaphore_mem>>
      %dma_start3A_457 = arith.constant 9760 : i32
      %dma_start3A_458 = tpu.memref_slice %arg6[%dma_start3A_457] : memref<10000xi32, #tpu.memory_space<vmem>> -> memref<80xi32, #tpu.memory_space<vmem>>
      %dma_start3A_459 = arith.constant 0 : i32
      %dma_start3A_460 = arith.constant 0 : i32
      %dma_start3A_461 = tpu.memref_slice %arg10[%dma_start3A_459, %dma_start3A_460] : memref<10240x128xf32, #tpu.memory_space<vmem_shared>> -> memref<10240x128xf32, #tpu.memory_space<vmem_shared>>
      tpu.enqueue_indirect_dma source(%arg7 : memref<80x128xf32, #tpu.memory_space<vmem>>) target(%dma_start3A_461 : memref<10240x128xf32, #tpu.memory_space<vmem_shared>>) offsets(%dma_start3A_458 : memref<80xi32, #tpu.memory_space<vmem>>) semaphore(%run_scoped3A : memref<!tpu.dma_semaphore, #tpu.memory_space<semaphore_mem>>) {add = true}
      %dma_wait3A_462 = arith.constant 9760 : i32
      %dma_wait3A_463 = tpu.memref_slice %arg6[%dma_wait3A_462] : memref<10000xi32, #tpu.memory_space<vmem>> -> memref<80xi32, #tpu.memory_space<vmem>>
      %dma_wait3A_464 = arith.constant 0 : i32
      %dma_wait3A_465 = arith.constant 0 : i32
      %dma_wait3A_466 = tpu.memref_slice %arg10[%dma_wait3A_464, %dma_wait3A_465] : memref<10240x128xf32, #tpu.memory_space<vmem_shared>> -> memref<10240x128xf32, #tpu.memory_space<vmem_shared>>
      tpu.wait_indirect_dma semaphore(%run_scoped3A : memref<!tpu.dma_semaphore, #tpu.memory_space<semaphore_mem>>) src(%arg7 : memref<80x128xf32, #tpu.memory_space<vmem>>) dst(%dma_wait3A_466 : memref<10240x128xf32, #tpu.memory_space<vmem_shared>>)
      tpu.yield
    }) : () -> ()
    %dma_wait3A_441 = arith.constant 9840 : i32
    %dma_wait3A_442 = tpu.memref_slice %arg5[%dma_wait3A_441] : memref<10000xi32, #tpu.memory_space<vmem>> -> memref<80xi32, #tpu.memory_space<vmem>>
    %dma_wait3A_443 = arith.constant 0 : i32
    %dma_wait3A_444 = arith.constant 0 : i32
    %dma_wait3A_445 = tpu.memref_slice %arg2[%dma_wait3A_443, %dma_wait3A_444] : memref<10000x128xf32, #tpu.memory_space<hbm>> -> memref<10000x128xf32, #tpu.memory_space<hbm>>
    tpu.wait_indirect_dma semaphore(%arg12 : memref<!tpu.dma_semaphore, #tpu.memory_space<semaphore_mem>>) src(%dma_wait3A_445 : memref<10000x128xf32, #tpu.memory_space<hbm>>) dst(%arg8 : memref<80x128xf32, #tpu.memory_space<vmem>>)
    "tpu.region"() ({
      %run_scoped3A = tpu.sem_alloc : memref<!tpu.dma_semaphore, #tpu.memory_space<semaphore_mem>>
      %dma_start3A_457 = arith.constant 9840 : i32
      %dma_start3A_458 = tpu.memref_slice %arg6[%dma_start3A_457] : memref<10000xi32, #tpu.memory_space<vmem>> -> memref<80xi32, #tpu.memory_space<vmem>>
      %dma_start3A_459 = arith.constant 0 : i32
      %dma_start3A_460 = arith.constant 0 : i32
      %dma_start3A_461 = tpu.memref_slice %arg10[%dma_start3A_459, %dma_start3A_460] : memref<10240x128xf32, #tpu.memory_space<vmem_shared>> -> memref<10240x128xf32, #tpu.memory_space<vmem_shared>>
      tpu.enqueue_indirect_dma source(%arg8 : memref<80x128xf32, #tpu.memory_space<vmem>>) target(%dma_start3A_461 : memref<10240x128xf32, #tpu.memory_space<vmem_shared>>) offsets(%dma_start3A_458 : memref<80xi32, #tpu.memory_space<vmem>>) semaphore(%run_scoped3A : memref<!tpu.dma_semaphore, #tpu.memory_space<semaphore_mem>>) {add = true}
      %dma_wait3A_462 = arith.constant 9840 : i32
      %dma_wait3A_463 = tpu.memref_slice %arg6[%dma_wait3A_462] : memref<10000xi32, #tpu.memory_space<vmem>> -> memref<80xi32, #tpu.memory_space<vmem>>
      %dma_wait3A_464 = arith.constant 0 : i32
      %dma_wait3A_465 = arith.constant 0 : i32
      %dma_wait3A_466 = tpu.memref_slice %arg10[%dma_wait3A_464, %dma_wait3A_465] : memref<10240x128xf32, #tpu.memory_space<vmem_shared>> -> memref<10240x128xf32, #tpu.memory_space<vmem_shared>>
      tpu.wait_indirect_dma semaphore(%run_scoped3A : memref<!tpu.dma_semaphore, #tpu.memory_space<semaphore_mem>>) src(%arg8 : memref<80x128xf32, #tpu.memory_space<vmem>>) dst(%dma_wait3A_466 : memref<10240x128xf32, #tpu.memory_space<vmem_shared>>)
      tpu.yield
    }) : () -> ()
    %dma_start3A_446 = arith.constant 9920 : i32
    %dma_start3A_447 = tpu.memref_slice %arg5[%dma_start3A_446] : memref<10000xi32, #tpu.memory_space<vmem>> -> memref<80xi32, #tpu.memory_space<vmem>>
    %dma_start3A_448 = arith.constant 0 : i32
    %dma_start3A_449 = arith.constant 0 : i32
    %dma_start3A_450 = tpu.memref_slice %arg2[%dma_start3A_448, %dma_start3A_449] : memref<10000x128xf32, #tpu.memory_space<hbm>> -> memref<10000x128xf32, #tpu.memory_space<hbm>>
    tpu.enqueue_indirect_dma source(%dma_start3A_450 : memref<10000x128xf32, #tpu.memory_space<hbm>>) target(%arg7 : memref<80x128xf32, #tpu.memory_space<vmem>>) offsets(%dma_start3A_447 : memref<80xi32, #tpu.memory_space<vmem>>) semaphore(%arg11 : memref<!tpu.dma_semaphore, #tpu.memory_space<semaphore_mem>>)
    %dma_wait3A_451 = arith.constant 9920 : i32
    %dma_wait3A_452 = tpu.memref_slice %arg5[%dma_wait3A_451] : memref<10000xi32, #tpu.memory_space<vmem>> -> memref<80xi32, #tpu.memory_space<vmem>>
    %dma_wait3A_453 = arith.constant 0 : i32
    %dma_wait3A_454 = arith.constant 0 : i32
    %dma_wait3A_455 = tpu.memref_slice %arg2[%dma_wait3A_453, %dma_wait3A_454] : memref<10000x128xf32, #tpu.memory_space<hbm>> -> memref<10000x128xf32, #tpu.memory_space<hbm>>
    tpu.wait_indirect_dma semaphore(%arg11 : memref<!tpu.dma_semaphore, #tpu.memory_space<semaphore_mem>>) src(%dma_wait3A_455 : memref<10000x128xf32, #tpu.memory_space<hbm>>) dst(%arg7 : memref<80x128xf32, #tpu.memory_space<vmem>>)
    "tpu.region"() ({
      %run_scoped3A = tpu.sem_alloc : memref<!tpu.dma_semaphore, #tpu.memory_space<semaphore_mem>>
      %dma_start3A_457 = arith.constant 9920 : i32
      %dma_start3A_458 = tpu.memref_slice %arg6[%dma_start3A_457] : memref<10000xi32, #tpu.memory_space<vmem>> -> memref<80xi32, #tpu.memory_space<vmem>>
      %dma_start3A_459 = arith.constant 0 : i32
      %dma_start3A_460 = arith.constant 0 : i32
      %dma_start3A_461 = tpu.memref_slice %arg10[%dma_start3A_459, %dma_start3A_460] : memref<10240x128xf32, #tpu.memory_space<vmem_shared>> -> memref<10240x128xf32, #tpu.memory_space<vmem_shared>>
      tpu.enqueue_indirect_dma source(%arg7 : memref<80x128xf32, #tpu.memory_space<vmem>>) target(%dma_start3A_461 : memref<10240x128xf32, #tpu.memory_space<vmem_shared>>) offsets(%dma_start3A_458 : memref<80xi32, #tpu.memory_space<vmem>>) semaphore(%run_scoped3A : memref<!tpu.dma_semaphore, #tpu.memory_space<semaphore_mem>>) {add = true}
      %dma_wait3A_462 = arith.constant 9920 : i32
      %dma_wait3A_463 = tpu.memref_slice %arg6[%dma_wait3A_462] : memref<10000xi32, #tpu.memory_space<vmem>> -> memref<80xi32, #tpu.memory_space<vmem>>
      %dma_wait3A_464 = arith.constant 0 : i32
      %dma_wait3A_465 = arith.constant 0 : i32
      %dma_wait3A_466 = tpu.memref_slice %arg10[%dma_wait3A_464, %dma_wait3A_465] : memref<10240x128xf32, #tpu.memory_space<vmem_shared>> -> memref<10240x128xf32, #tpu.memory_space<vmem_shared>>
      tpu.wait_indirect_dma semaphore(%run_scoped3A : memref<!tpu.dma_semaphore, #tpu.memory_space<semaphore_mem>>) src(%arg7 : memref<80x128xf32, #tpu.memory_space<vmem>>) dst(%dma_wait3A_466 : memref<10240x128xf32, #tpu.memory_space<vmem_shared>>)
      tpu.yield
    }) : () -> ()
    %barrier3A_456 = arith.constant 0 : index
    tpu.barrier barrier_id(%barrier3A_456)
    "tpu.region"() ({
      %run_scoped3A = tpu.sem_alloc : memref<!tpu.dma_semaphore, #tpu.memory_space<semaphore_mem>>
      %dma_start3A_457 = arith.constant 0 : i32
      %dma_start3A_458 = arith.constant 0 : i32
      %dma_start3A_459 = tpu.memref_slice %arg4[%arg0, %dma_start3A_457, %dma_start3A_458] : memref<2x10240x128xf32, #tpu.memory_space<hbm>> -> memref<1x10240x128xf32, #tpu.memory_space<hbm>>
      %dma_start3A_460 = tpu.memref_squeeze %dma_start3A_459 : memref<1x10240x128xf32, #tpu.memory_space<hbm>> -> memref<10240x128xf32, #tpu.memory_space<hbm>>
      %dma_start3A_461 = arith.constant 0 : i32
      %dma_start3A_462 = tpu.memref_slice %dma_start3A_460[%mul3A_399, %dma_start3A_461] : memref<10240x128xf32, #tpu.memory_space<hbm>> -> memref<640x128xf32, #tpu.memory_space<hbm>>
      %dma_start3A_463 = arith.constant 0 : i32
      %dma_start3A_464 = tpu.memref_slice %arg10[%mul3A_399, %dma_start3A_463] : memref<10240x128xf32, #tpu.memory_space<vmem_shared>> -> memref<640x128xf32, #tpu.memory_space<vmem_shared>>
      tpu.enqueue_dma source(%dma_start3A_464 : memref<640x128xf32, #tpu.memory_space<vmem_shared>>) target(%dma_start3A_462 : memref<640x128xf32, #tpu.memory_space<hbm>>) target_semaphore(%run_scoped3A : memref<!tpu.dma_semaphore, #tpu.memory_space<semaphore_mem>>)
      %dma_wait3A_465 = arith.constant 0 : i32
      %dma_wait3A_466 = arith.constant 0 : i32
      %dma_wait3A_467 = tpu.memref_slice %arg4[%arg0, %dma_wait3A_465, %dma_wait3A_466] : memref<2x10240x128xf32, #tpu.memory_space<hbm>> -> memref<1x10240x128xf32, #tpu.memory_space<hbm>>
      %dma_wait3A_468 = tpu.memref_squeeze %dma_wait3A_467 : memref<1x10240x128xf32, #tpu.memory_space<hbm>> -> memref<10240x128xf32, #tpu.memory_space<hbm>>
      %dma_wait3A_469 = arith.constant 0 : i32
      %dma_wait3A_470 = tpu.memref_slice %dma_wait3A_468[%mul3A_399, %dma_wait3A_469] : memref<10240x128xf32, #tpu.memory_space<hbm>> -> memref<640x128xf32, #tpu.memory_space<hbm>>
      %dma_wait3A_471 = arith.constant 0 : i32
      %dma_wait3A_472 = tpu.memref_slice %arg10[%mul3A_399, %dma_wait3A_471] : memref<10240x128xf32, #tpu.memory_space<vmem_shared>> -> memref<640x128xf32, #tpu.memory_space<vmem_shared>>
      tpu.wait_dma2 semaphore(%run_scoped3A : memref<!tpu.dma_semaphore, #tpu.memory_space<semaphore_mem>>) src(%dma_wait3A_472 : memref<640x128xf32, #tpu.memory_space<vmem_shared>>) dst(%dma_wait3A_470 : memref<640x128xf32, #tpu.memory_space<hbm>>)
      tpu.yield
    }) : () -> ()
    return
  }
}

module attributes {stable_mosaic.version = 14 : i64} {
  func.func @body(%arg0: i32, %arg1: memref<2x2560x128xf32, #tpu.memory_space<vmem>>, %arg2: memref<128x128xf32, #tpu.memory_space<vmem>>, %arg3: memref<1x128xf32, #tpu.memory_space<vmem>>, %arg4: memref<2560x128xf32, #tpu.memory_space<vmem>>) attributes {dimension_semantics = [#tpu.dimension_semantics<arbitrary>], iteration_bounds = array<i64: 4>, scalar_prefetch = 0 : i64, scratch_operands = 0 : i64, tpu.core_type = #tpu.core_type<tc>, window_params = [{transform_indices = @transform_0, window_bounds = array<i64: 2, 2560, 128>}, {pipeline_mode = #tpu.pipeline_mode<synchronous>, transform_indices = @transform_1, window_bounds = array<i64: 128, 128>}, {pipeline_mode = #tpu.pipeline_mode<synchronous>, transform_indices = @transform_2, window_bounds = array<i64: 1, 128>}, {transform_indices = @transform_3, window_bounds = array<i64: 2560, 128>}]} {
    %get3A = arith.constant 0 : index
    %get3A_0 = arith.constant 0 : index
    %get3A_1 = arith.constant 0 : index
    %get3A_2 = vector.load %arg1[%get3A, %get3A_0, %get3A_1] : memref<2x2560x128xf32, #tpu.memory_space<vmem>>, vector<1x2560x128xf32>
    %get3A_3 = vector.shape_cast %get3A_2 : vector<1x2560x128xf32> to vector<2560x128xf32>
    %get3A_4 = arith.constant 1 : index
    %get3A_5 = arith.constant 0 : index
    %get3A_6 = arith.constant 0 : index
    %get3A_7 = vector.load %arg1[%get3A_4, %get3A_5, %get3A_6] : memref<2x2560x128xf32, #tpu.memory_space<vmem>>, vector<1x2560x128xf32>
    %get3A_8 = vector.shape_cast %get3A_7 : vector<1x2560x128xf32> to vector<2560x128xf32>
    %add3A = arith.addf %get3A_3, %get3A_8 : vector<2560x128xf32>
    %get3A_9 = arith.constant 0 : index
    %get3A_10 = arith.constant 0 : index
    %get3A_11 = vector.load %arg2[%get3A_9, %get3A_10] : memref<128x128xf32, #tpu.memory_space<vmem>>, vector<128x128xf32>
    %dot_general3A = arith.constant dense<0.000000e+00> : vector<2560x128xf32>
    %dot_general3A_12 = tpu.matmul %add3A, %get3A_11, %dot_general3A {dimension_numbers = #tpu.dot_dimension_numbers<[1], [0], [0], [1], [0, 0, 1, 1], [], []>, transpose_lhs_hint = false} : vector<2560x128xf32>, vector<128x128xf32>, vector<2560x128xf32> -> vector<2560x128xf32>
    %get3A_13 = arith.constant 0 : index
    %get3A_14 = arith.constant 0 : index
    %get3A_15 = vector.load %arg3[%get3A_13, %get3A_14] : memref<1x128xf32, #tpu.memory_space<vmem>>, vector<1x128xf32>
    %add3A_16 = vector.broadcast %get3A_15 : vector<1x128xf32> to vector<2560x128xf32>
    %add3A_17 = arith.addf %dot_general3A_12, %add3A_16 : vector<2560x128xf32>
    %swap3A = arith.constant 0 : index
    %swap3A_18 = arith.constant 0 : index
    %swap3A_19 = vector.load %arg4[%swap3A, %swap3A_18] : memref<2560x128xf32, #tpu.memory_space<vmem>>, vector<2560x128xf32>
    tpu.vector_store %arg4[%swap3A, %swap3A_18], %add3A_17 {strides = array<i32>} : memref<2560x128xf32, #tpu.memory_space<vmem>>, vector<2560x128xf32>,
    return
  }
  func.func @transform_0(%arg0: i32) -> (i32, i32, i32) {
    %c0_i32 = arith.constant 0 : i32
    %c0_i32_0 = arith.constant 0 : i32
    %c0_i32_1 = arith.constant 0 : i32
    return %c0_i32, %arg0, %c0_i32_0 : i32, i32, i32
  }
  func.func @transform_1(%arg0: i32) -> (i32, i32) {
    %c0_i32 = arith.constant 0 : i32
    %c0_i32_0 = arith.constant 0 : i32
    %c0_i32_1 = arith.constant 0 : i32
    return %c0_i32, %c0_i32_0 : i32, i32
  }
  func.func @transform_2(%arg0: i32) -> (i32, i32) {
    %c0_i32 = arith.constant 0 : i32
    %c0_i32_0 = arith.constant 0 : i32
    %c0_i32_1 = arith.constant 0 : i32
    return %c0_i32, %c0_i32_0 : i32, i32
  }
  func.func @transform_3(%arg0: i32) -> (i32, i32) {
    %c0_i32 = arith.constant 0 : i32
    %c0_i32_0 = arith.constant 0 : i32
    return %arg0, %c0_i32 : i32, i32
  }
}

</mosaic_0001>

<sc_bundles>
// kernel: kernel.4.cloned.1.call-start
scs
__scs_entry_jumppad:
0x0: {  	(pc) =	sbr.rel $0x88, $3  }
0x1: {  	(tag) =	ssettag $0x0;
	lr =	simm.s32 $0x1  }
0x2: {  	[smem:$0x3F9D] =	sst lr;
	_ =	strace $0xD0000000  }
0x3: {  	_ = 	snop  }
0x4: {  	_ = 	snop  }
0x5: {  	_ = 	snop  }
0x6: {  	_ = 	snop  }
0x7: {  	_ = 	snop  }
__scs_overlays_trampoline_lowered:
0x8: {  	[smem:$0x3FAC] =	sst s0  }
0x9: {  	[smem:$0x3FAD] =	sst s1  }
0xa: {  	[smem:$0x3FAE] =	sst s2  }
0xb: {  	[smem:$0x3FAF] =	sst s3  }
0xc: {  	[smem:$0x3FB0] =	sst s4  }
0xd: {  	[smem:$0x3FB1] =	sst s5  }
0xe: {  	[smem:$0x3FB2] =	sst s6  }
0xf: {  	[smem:$0x3FB3] =	sst s7  }
0x10: {  	[smem:$0x3FB4] =	sst s8  }
0x11: {  	[smem:$0x3FB5] =	sst s9;
	s0 =	simm.s32 @!p0 $0x0  }
0x12: {  	s1 =	sld [smem:$0x3F9B];
	s0 =	simm.s32 @p0 $0x1  }
0x13: {  	[smem:$0x3FB6] =	sst s0;
	s0 =	simm.s32 @!p1 $0x0  }
0x14: {  	s2 =	sld [smem:$0x3F9A];
	s0 =	simm.s32 @p1 $0x1  }
0x15: {  	[smem:$0x3FB7] =	sst s0;
	s0 =	simm.s32 @!p2 $0x0  }
0x16: {  	s3 =	sld [smem:$0x3FDB];
	s0 =	simm.s32 @p2 $0x1  }
0x17: {  	s4 =	simm.s32 $0x1BF5;
	[smem:$0x3FB9] =	sst s0  }
0x18: {  	s0 =	sld [smem:$0x3F9C];
	_ =	swait.ge [sflag:s4], $0x0  }
0x19: {  	s7 =	sld [smem:$0x3F9D]  }
0x1a: {  	s8 =	sadd.s32 $0xFFFFE003, lr  }
0x1b: {  	s9 =	sadd.s32 $0xFFFFFEF7, lr;
	s5 =	simm.s32 $0xFFFFFFFF;
	p2 =	slt.u32 s8, $0xFFFFF086  }
0x1c: {  	p1 =	slt.u32 s9, $0xF7A;
	s5 =	simm.s32 @!p2 $0x0  }
0x1d: {  	s5 =	simm.s32 @p1 $0x1;
	p0 =	seq.s32 s7, s2  }
0x1e: {  	s7 =	smul.u32 @!p0 $0xF7A, s2;
	p2 =	seq.s32 @!p0 s5, $0x0  }
0x1f: {  	s9 =	smul.u32 $0xF7A, s1;
	s8 =	simm.s32 @!p0 $0x1BF5;
	p2 =	por !p2, p0  }
0x20: {  	[sflag:s8] =	ssyncset.s32 @!p0 $0xFFFFF086;
	s6 =	sadd.s32 @!p0 s3, s7;
	s7 =	simm.s32 @!p0 $0x108  }
0x21: {  	s3 =	sadd.s32 s3, s9;
	s6 =	sadd.s32 @!p0 $0x88, s6;
	s7 =	simm.s32 @p2 $0x1082  }
0x22: {  	[simem:s7], [sflag:s8] =	dma.local @!p0 [hbm:s6], $0xF7A  }
0x23: {  	s9 =	sor.u32 $0xD0000000, s2;
	s6 =	simm.s32 $0x108;
	_ =	swait.ge @!p0 [sflag:s8], $0x0  }
0x24: {  	s3 =	sadd.s32 $0x88, s3;
	s6 =	simm.s32 @!p1 $0x1082;
	[sflag:s4] =	ssyncset.s32 $0xFFFFF086  }
0x25: {  	[simem:s6], [sflag:s4] =	dma.local [hbm:s3], $0xF7A  }
0x26: {  	[smem:$0x3F9D] =	sst s1;
	(tag) =	ssettag s2;
	_ =	strace s9  }
0x27: {  	s1 =	sld [smem:$0x3FAD]  }
0x28: {  	s2 =	sld [smem:$0x3FAE]  }
0x29: {  	s4 =	sld [smem:$0x3FB0]  }
0x2a: {  	p0 =	seq.s32 s5, $0x0;
	s5 =	sld [smem:$0x3FB1]  }
0x2b: {  	s6 =	sld [smem:$0x3FB2]  }
0x2c: {  	s7 =	sld [smem:$0x3FB3]  }
0x2d: {  	s3 =	simm.s32 $0x108;
	s8 =	sld [smem:$0x3FB4]  }
0x2e: {  	s3 =	simm.s32 @!p0 $0x1082;
	s9 =	sld [smem:$0x3FB5]  }
0x2f: {  	lr =	sadd.s32 s0, s3;
	s0 =	sld [smem:$0x3FAC]  }
0x30: {  	s3 =	sld [smem:$0x3FAF]  }
0x31: {  	[smem:$0x3FB8] =	sst s10  }
0x32: {  	s10 =	sld [smem:$0x3FB6];
	_ =	sdelay $0x3  }
0x33: {  	p0 =	seq.s32 s10, $0x1;
	s10 =	sld [smem:$0x3FB8];
	_ =	sdelay $0x3  }
0x34: {  	[smem:$0x3FB8] =	sst s10  }
0x35: {  	s10 =	sld [smem:$0x3FB7];
	_ =	sdelay $0x3  }
0x36: {  	p1 =	seq.s32 s10, $0x1;
	s10 =	sld [smem:$0x3FB8];
	_ =	sdelay $0x3  }
0x37: {  	[smem:$0x3FB8] =	sst s10  }
0x38: {  	s10 =	sld [smem:$0x3FB9]  }
0x39: {  	_ = 	snop;
	(pc) =	sbr.ind lr, $3  }
0x3a: {  	_ = 	snop  }
0x3b: {  	_ = 	snop  }
0x3c: {  	p2 =	seq.s32 s10, $0x1;
	s10 =	sld [smem:$0x3FB8]  }
0x3d: {  	_ =	shalt  }
0x3e: {  	_ =	shalt  }
0x3f: {  	_ =	shalt  }
0x40: {  	_ =	shalt  }
0x41: {  	_ =	shalt  }
0x42: {  	_ =	shalt  }
0x43: {  	_ =	shalt  }
0x44: {  	_ =	shalt  }
0x45: {  	_ =	shalt  }
0x46: {  	_ =	shalt  }
0x47: {  	_ =	shalt  }
0x48: {  	_ =	shalt  }
0x49: {  	_ =	shalt  }
0x4a: {  	_ =	shalt  }
0x4b: {  	_ =	shalt  }
0x4c: {  	_ =	shalt  }
0x4d: {  	_ =	shalt  }
0x4e: {  	_ =	shalt  }
0x4f: {  	_ =	shalt  }
0x50: {  	_ =	shalt  }
0x51: {  	_ =	shalt  }
0x52: {  	_ =	shalt  }
0x53: {  	_ =	shalt  }
0x54: {  	_ =	shalt  }
0x55: {  	_ =	shalt  }
0x56: {  	_ =	shalt  }
0x57: {  	_ =	shalt  }
0x58: {  	_ =	shalt  }
0x59: {  	_ =	shalt  }
0x5a: {  	_ =	shalt  }
0x5b: {  	_ =	shalt  }
0x5c: {  	_ =	shalt  }
0x5d: {  	_ =	shalt  }
0x5e: {  	_ =	shalt  }
0x5f: {  	_ =	shalt  }
0x60: {  	_ =	shalt  }
0x61: {  	_ =	shalt  }
0x62: {  	_ =	shalt  }
0x63: {  	_ =	shalt  }
0x64: {  	_ =	shalt  }
0x65: {  	_ =	shalt  }
0x66: {  	_ =	shalt  }
0x67: {  	_ =	shalt  }
0x68: {  	_ =	shalt  }
0x69: {  	_ =	shalt  }
0x6a: {  	_ =	shalt  }
0x6b: {  	_ =	shalt  }
0x6c: {  	_ =	shalt  }
0x6d: {  	_ =	shalt  }
0x6e: {  	_ =	shalt  }
0x6f: {  	_ =	shalt  }
0x70: {  	_ =	shalt  }
0x71: {  	_ =	shalt  }
0x72: {  	_ =	shalt  }
0x73: {  	_ =	shalt  }
0x74: {  	_ =	shalt  }
0x75: {  	_ =	shalt  }
0x76: {  	_ =	shalt  }
0x77: {  	_ =	shalt  }
0x78: {  	_ =	shalt  }
0x79: {  	_ =	shalt  }
0x7a: {  	_ =	shalt  }
0x7b: {  	_ =	shalt  }
0x7c: {  	_ =	shalt  }
0x7d: {  	_ =	shalt  }
0x7e: {  	_ =	shalt  }
0x7f: {  	_ =	shalt  }
0x80: {  	_ =	shalt  }
0x81: {  	_ =	shalt  }
0x82: {  	_ =	shalt  }
0x83: {  	_ =	shalt  }
0x84: {  	_ =	shalt  }
0x85: {  	_ =	shalt  }
0x86: {  	_ =	shalt  }
0x87: {  	_ =	shalt  }
.Lfunc_end0:
.L_simem_size_0:
called_computation_lowered:
.L_overlay_start_0:
0x88: {  	s2 =	sld [smem:$0x3FD9]  }
0x89: {  	s3 =	sld [smem:$0x3FFE];
	_ =	sdelay $0x1  }
0x8a: {  	s1 =	srdreg.scid  }
0x8b: {  	s0 =	sand.u32 $0x1, s1  }
0x8c: {  	s17 =	sshll.u32 s0, $0xA;
	s2 =	sadd.s32 s3, s2  }
0x8d: {  	s2 =	sadd.s32 s2, s17  }
0x8e: {  	[smem:$0x3FC4] =	sst s2  }
0x8f: {  	_ = 	snop  }
0x90: {  	s2 =	sld [smem:$0x3FC9]  }
0x91: {  	s18 =	sld [smem:$0x3FD0];
	(tm) =	ssettm $0x1  }
0x92: {  	s4 =	sld [smem:$0x3FFB];
	_ =	sdelay $0x3  }
0x93: {  	_ =	strace s4  }
0x94: {  	s4 =	sld [smem:$0x3FFC];
	_ =	sdelay $0x3  }
0x95: {  	_ =	strace s4  }
0x96: {  	s4 =	sld [smem:$0x3FFD];
	_ =	sdelay $0x3  }
0x97: {  	_ =	strace s4  }
0x98: {  	_ =	strace $0x8FFFFFFF  }
0x99: {  	s19 =	sld [smem:$0x3FDB];
	_ =	sdelay $0x1  }
0x9a: {  	s5 =	simm.s32 $_scs_section_size  }
0x9b: {  	s6 =	simm.s32 $_size__tile_overlayer_lowered;
	s7 =	simm.s32 $_tile_overlayer_lowered  }
0x9c: {  	s22 =	simm.s32 $0x1BFF;
	s21 =	sshll.u32 s7, $0x1;
	s4 =	sadd.s32 s5, s19  }
0x9d: {  	s8 =	simm.s32 $0x0;
	s20 =	sshll.u32 s6, $0x1;
	s6 =	sadd.s32 s21, s4  }
0x9e: {  	[timem:s8], [sflag:s22] =	dma.local [hbm:s6], s20  }
0x9f: {  	_ =	swait.ge [sflag:s22], s20  }
0xa0: {  	s5 =	ssub.s32 $0x0, s20;
	[sflag:s22] =	ssyncset.done $0x0  }
0xa1: {  	[sflag:s22] =	ssyncadd.s32 s5;
	_ =	sdelay $0x1  }
0xa2: {  	s23 =	simm.s32 $0x1B8B  }
0xa3: {  	_ =	swait.ge [sflag:s23], $0x1  }
0xa4: {  	[sflag:s23] =	ssyncset.done $0x0  }
0xa5: {  	s25 =	simm.s32 $0x1B8E;
	s24 =	sld [smem:$0x3FFE];
	[sflag:s23] =	ssyncadd.s32 $0xFFFFFFFF  }
0xa6: {  	s26 =	simm.s32 $execute0_lowered;
	[smem:$0x3FD2] =	sst s25  }
0xa7: {  	s6 =	sshll.u32 s26, $0x1;
	_ =	strace $0x80000046;
	[dreg:$0x1] =	wrdreg $0xFFFFFFFF  }
0xa8: {  	s28 =	simm.s32 $_size_execute0_lowered;
	s4 =	sadd.s32 s4, s6;
	[dreg:$0x0] =	wrdreg $0x0  }
0xa9: {  	s6 =	sshll.u32 s28, $0x1;
	[dreg:$0x2] =	wrdreg s4  }
0xaa: {  	[dreg:$0x3] =	wrdreg s6  }
0xab: {  	[dreg:$0x4] =	wrdreg $0xC0  }
0xac: {  	_ =	task [dreg:s8], $0x5FFFF  }
0xad: {  	[dreg:$0x1] =	wrdreg $0xFFFFFFFF  }
0xae: {  	[dreg:$0x0] =	wrdreg $0x60  }
0xaf: {  	[dreg:$0x2] =	wrdreg s2  }
0xb0: {  	[dreg:$0x3] =	wrdreg s18  }
0xb1: {  	[dreg:$0x4] =	wrdreg s24  }
0xb2: {  	[dreg:$0x5] =	wrdreg $0xA2200  }
0xb3: {  	[dreg:$0x6] =	wrdreg $0x9  }
0xb4: {  	_ =	task.clear_ibuf [dreg:s8], $0x7FFFF;
	_ =	strace $0x90000046  }
0xb5: {  	s29 =	simm.s32 $0x9;
	_ =	strace $0x80000048  }
0xb6: {  	_ =	swait.ge [sflag:s29], $0x1  }
0xb7: {  	[sflag:s29] =	ssyncadd.s32 $0xFFFFFFFF  }
0xb8: {  	_ =	strace $0x90000048  }
0xb9: {  	_ =	sfence  }
0xba: {  	s30 =	sld [smem:$0x0];
	_ =	sdelay $0x2  }
0xbb: {  	s31 =	sshll.u32 s1, $0xD;
	s1 =	sshrl.u32 s1, $0x2  }
0xbc: {  	s3 =	sand.u32 $0x4000, s31;
	s1 =	sadd.s32 s1, s30  }
0xbd: {  	s0 =	sor.u32 s3, s0;
	s1 =	sshll.u32 s1, $0x11  }
0xbe: {  	s0 =	sor.u32 s1, s0  }
0xbf: {  	s0 =	sadd.s32 $0x8F2B, s0  }
0xc0: {  	[sflag:s0] =	ssyncadd.remote.s32 $0x1  }
0xc1: {  	_ =	sfence.sel $0xFFFF  }
0xc2: {  	[dreg:$0x0] =	wrdreg $0xFFFFFFFF;
	(pc) =	sbr.abs _section_cstart, $3  }
0xc3: {  	[dreg:$0x1] =	wrdreg $0xFFFFFFFF  }
0xc4: {  	_ =	task.clear_ibuf [dreg:s8], $0x2FFFF;
	_ =	strace $0x9FFFFFFF  }
0xc5: {  	(tm) =	ssettm $0x7FFFFFFF  }
tec
execute0_lowered:
.L_overlay_start_1:
0x0: {  	(tag) =	ssettag $0x1  }
0x1: {  	s1 =	rddreg [dreg:$0x0]  }
0x2: {  	s5 =	rddreg [dreg:$0x1]  }
0x3: {  	s6 =	rddreg [dreg:$0x2];
	s0 =	srdreg.scid  }
0x4: {  	s3 =	rddreg [dreg:$0x3];
	s2 =	stileid.u32;
	s4 =	simm.s32 $0x0  }
0x5: {  	s12 =	simm.s32 $0x2;
	s13 =	simm.s32 $0x4E20;
	s14 =	simm.s32 $0x7620  }
0x6: {  	s15 =	simm.s32 $0x3;
	s16 =	simm.s32 $0x50;
	s17 =	simm.s32 $0x4  }
0x7: {  	s18 =	simm.s32 $0x4D30;
	s19 =	simm.s32 $0x4D80;
	s20 =	simm.s32 $0x26C0  }
0x8: {  	s7 =	sand.u32 $0x1, s0;
	s0 =	rddreg [dreg:$0x4];
	s30 =	smul.u32 $0x50000, s2  }
0x9: {  	s21 =	simm.s32 $0x4DD0;
	[smem:$0x7FF] =	sst s4;
	s11 =	smul.u32 $0x14000, s2  }
0xa: {  	s8 =	sshll.u32 s7, $0x4;
	s9 =	smul.u32 $0x28000, s7;
	s28 =	ssub.s32 $0x2, s7  }
0xb: {  	_ =	strace $0x80000047;
	s8 =	sor.u32 s2, s8;
	s10 =	sshrl.u32 s28, $0x1  }
0xc: {  	s31 =	sshrl.u32 s30, $0x2;
	s23 =	sshrl.u32 s11, $0x3;
	s24 =	sadd.s32 s11, s3  }
0xd: {  	s11 =	simm.s32 $0x1;
	s8 =	smul.u32 $0x2710, s8;
	s9 =	sadd.s32 s9, s6  }
0xe: {  	s10 =	ssub.s32 s28, s10;
	s7 =	sadd.s32 s31, s3;
	s22 =	sadd.s32 $0xA00, s9  }
0xf: {  	s9 =	simm.s32 $0x2710;
	s29 =	sshrl.u32 s8, $0x3;
	s8 =	smax.u32 s10, $0x1  }
0x10: {  	s10 =	simm.s32 $0x9E20;
	s22 =	sadd.s32 s23, s22;
	s5 =	sadd.s32 s5, s29  }
0x11: {  	v0 =	vimm.f32 $0.0e+00;
	s23 =	sshrl.u32 s24, $0x3;
	s24 =	simm.s32 $0x0;
	s6 =	sadd.s32 $0x9C40, s5  }
.LBB2_1:
0x12: {  	[tilespmem:s4], [sflag:$0x1] =	stream.linear.gather [hbm4b:s6+s4], $0x2710, $0x38;
	[tilespmem:$0x1E220] =	vst v63  }
0x13: {  	_ = 	snop  }
0x14: {  	[tilespmem:s9], [sflag:$0x2] =	stream.linear.gather [hbm4b:s5+s4], $0x2710, $0x38;
	[tilespmem:$0x1E220] =	vst v63  }
0x15: {  	[tilespmem:$0x9E20] =	vst v0  }
0x16: {  	[tilespmem:$0x9E30] =	vst v0  }
0x17: {  	[tilespmem:$0x9E40] =	vst v0  }
0x18: {  	[tilespmem:$0x9E50] =	vst v0  }
0x19: {  	[tilespmem:$0x9E60] =	vst v0  }
0x1a: {  	[tilespmem:$0x9E70] =	vst v0  }
0x1b: {  	[tilespmem:$0x9E80] =	vst v0  }
0x1c: {  	[tilespmem:$0x9E90] =	vst v0  }
0x1d: {  	[tilespmem:$0x9EA0] =	vst v0  }
0x1e: {  	[tilespmem:$0x9EB0] =	vst v0  }
0x1f: {  	[tilespmem:$0x9EC0] =	vst v0  }
0x20: {  	[tilespmem:$0x9ED0] =	vst v0  }
0x21: {  	[tilespmem:$0x9EE0] =	vst v0  }
0x22: {  	[tilespmem:$0x9EF0] =	vst v0  }
0x23: {  	[tilespmem:$0x9F00] =	vst v0  }
0x24: {  	[tilespmem:$0x9F10] =	vst v0  }
0x25: {  	[tilespmem:$0x9F20] =	vst v0  }
0x26: {  	[tilespmem:$0x9F30] =	vst v0  }
0x27: {  	[tilespmem:$0x9F40] =	vst v0  }
0x28: {  	[tilespmem:$0x9F50] =	vst v0  }
0x29: {  	[tilespmem:$0x9F60] =	vst v0  }
0x2a: {  	[tilespmem:$0x9F70] =	vst v0  }
0x2b: {  	[tilespmem:$0x9F80] =	vst v0  }
0x2c: {  	[tilespmem:$0x9F90] =	vst v0  }
0x2d: {  	[tilespmem:$0x9FA0] =	vst v0  }
0x2e: {  	[tilespmem:$0x9FB0] =	vst v0  }
0x2f: {  	[tilespmem:$0x9FC0] =	vst v0  }
0x30: {  	[tilespmem:$0x9FD0] =	vst v0  }
0x31: {  	[tilespmem:$0x9FE0] =	vst v0  }
0x32: {  	[tilespmem:$0x9FF0] =	vst v0  }
0x33: {  	[tilespmem:$0xA000] =	vst v0  }
0x34: {  	[tilespmem:$0xA010] =	vst v0  }
0x35: {  	[tilespmem:$0xA020] =	vst v0  }
0x36: {  	[tilespmem:$0xA030] =	vst v0  }
0x37: {  	[tilespmem:$0xA040] =	vst v0  }
0x38: {  	[tilespmem:$0xA050] =	vst v0  }
0x39: {  	[tilespmem:$0xA060] =	vst v0  }
0x3a: {  	[tilespmem:$0xA070] =	vst v0  }
0x3b: {  	[tilespmem:$0xA080] =	vst v0  }
0x3c: {  	[tilespmem:$0xA090] =	vst v0  }
0x3d: {  	[tilespmem:$0xA0A0] =	vst v0  }
0x3e: {  	[tilespmem:$0xA0B0] =	vst v0  }
0x3f: {  	[tilespmem:$0xA0C0] =	vst v0  }
0x40: {  	[tilespmem:$0xA0D0] =	vst v0  }
0x41: {  	[tilespmem:$0xA0E0] =	vst v0  }
0x42: {  	[tilespmem:$0xA0F0] =	vst v0  }
0x43: {  	[tilespmem:$0xA100] =	vst v0  }
0x44: {  	[tilespmem:$0xA110] =	vst v0  }
0x45: {  	[tilespmem:$0xA120] =	vst v0  }
0x46: {  	[tilespmem:$0xA130] =	vst v0  }
0x47: {  	[tilespmem:$0xA140] =	vst v0  }
0x48: {  	[tilespmem:$0xA150] =	vst v0  }
0x49: {  	[tilespmem:$0xA160] =	vst v0  }
0x4a: {  	[tilespmem:$0xA170] =	vst v0  }
0x4b: {  	[tilespmem:$0xA180] =	vst v0  }
0x4c: {  	[tilespmem:$0xA190] =	vst v0  }
0x4d: {  	[tilespmem:$0xA1A0] =	vst v0  }
0x4e: {  	[tilespmem:$0xA1B0] =	vst v0  }
0x4f: {  	[tilespmem:$0xA1C0] =	vst v0  }
0x50: {  	[tilespmem:$0xA1D0] =	vst v0  }
0x51: {  	[tilespmem:$0xA1E0] =	vst v0  }
0x52: {  	[tilespmem:$0xA1F0] =	vst v0  }
0x53: {  	[tilespmem:$0xA200] =	vst v0  }
0x54: {  	s25 =	simm.s32 $0x1000;
	s26 =	sadd.s32 $0x0, s7;
	[tilespmem:$0xA210] =	vst v0  }
.LBB2_2:
0x55: {  	[spmem:s26] =	stream.linear.scatter [tilespmem:s10], [sflag:$0x3], $0x400, $0x38;
	[tilespmem:$0x1E220] =	vst v63  }
0x56: {  	s26 =	smov.u32 s25;
	p0 =	sne.s32 s25, $0x4F000  }
.Ltmp0:
0x57: {  	s25 =	sadd.s32 $0x1000, s25;
	(pc) =	sbr.rel @p0 .LBB2_2-.Ltmp0, $3  }
0x58: {  	_ =	sdelay $0x1  }
0x59: {  	s26 =	sshra.s32 s26, $0x2  }
0x5a: {  	s26 =	sadd.s32 s26, s7  }
0x5b: {  	[spmem:s26] =	stream.linear.scatter [tilespmem:s10], [sflag:$0x3], $0x400, $0x38;
	[tilespmem:$0x1E220] =	vst v63  }
0x5c: {  	_ =	swait.ge [sflag:s11], $0x2710  }
0x5d: {  	[sflag:s11] =	ssyncset.done $0x0  }
0x5e: {  	[sflag:s11] =	ssyncadd.s32 $0xFFFFD8F0  }
0x5f: {  	_ =	swait.ge [sflag:s12], $0x2710  }
0x60: {  	[sflag:s12] =	ssyncset.done $0x0  }
0x61: {  	s25 =	simm.s32 $0x50;
	[sflag:s12] =	ssyncadd.s32 $0xFFFFD8F0  }
0x62: {  	[tilespmem:s13], [sflag:$0x1] =	stream.indirect.gather [hbm4b:s1+s25], $0x80, s4, s25, $0xb8;
	[tilespmem:$0x1E220] =	vst v63  }
0x63: {  	_ = 	snop  }
0x64: {  	[tilespmem:s14], [sflag:$0x2] =	stream.indirect.gather [hbm4b:s1+s25], $0x80, s25, s25, $0xb8;
	[tilespmem:$0x1E220] =	vst v63  }
0x65: {  	_ =	swait.ge [sflag:s15], $0x400  }
0x66: {  	s25 =	simm.s32 $0x4F;
	[sflag:s15] =	ssyncset.done $0x0  }
.LBB2_4:
0x67: {  	p0 =	sne.s32 s25, $0x1;
	s25 =	sadd.s32 $0xFFFFFFFF, s25;
	[sflag:s15] =	ssyncadd.s32 $0xFFFFFC00  }
.Ltmp1:
0x68: {  	(pc) =	sbr.rel @p0 .LBB2_4-.Ltmp1, $3  }
0x69: {  	_ =	sdelay $0x1  }
0x6a: {  	_ =	swait.ge [sflag:s15], $0x400  }
0x6b: {  	[sflag:s15] =	ssyncset.done $0x0  }
0x6c: {  	[sflag:s15] =	ssyncadd.s32 $0xFFFFFC00  }
0x6d: {  	[bflag:$0x0] =	sbarrier.arrive $0xFFFF  }
0x6e: {  	_ =	swait.ge [sflag:s11], $0x2800  }
0x6f: {  	[sflag:s11] =	ssyncset.done $0x0  }
0x70: {  	s25 =	simm.s32 $0x2710;
	[sflag:s11] =	ssyncadd.s32 $0xFFFFD800  }
0x71: {  	[spmem:s3] =	stream.indirect.scatter.add.f32 [tilespmem:s13], [sflag:$0x4], $0x80, s25, s16, $0xb8;
	[tilespmem:$0x1E220] =	vst v63  }
0x72: {  	_ =	swait.ge [sflag:s17], $0x2800  }
0x73: {  	[sflag:s17] =	ssyncset.done $0x0  }
0x74: {  	s30 =	simm.s32 $0xA0;
	[sflag:s17] =	ssyncadd.s32 $0xFFFFD800  }
0x75: {  	[tilespmem:s13], [sflag:$0x1] =	stream.indirect.gather [hbm4b:s1+s16], $0x80, s30, s16, $0xb8;
	[tilespmem:$0x1E220] =	vst v63  }
0x76: {  	_ =	swait.ge [sflag:s12], $0x2800  }
0x77: {  	[sflag:s12] =	ssyncset.done $0x0  }
0x78: {  	s31 =	simm.s32 $0x2760;
	[sflag:s12] =	ssyncadd.s32 $0xFFFFD800  }
0x79: {  	[spmem:s3] =	stream.indirect.scatter.add.f32 [tilespmem:s14], [sflag:$0x4], $0x80, s31, s16, $0xb8;
	[tilespmem:$0x1E220] =	vst v63  }
0x7a: {  	_ =	swait.ge [sflag:s17], $0x2800  }
0x7b: {  	[sflag:s17] =	ssyncset.done $0x0  }
0x7c: {  	s26 =	simm.s32 $0xF0;
	s25 =	simm.s32 $0x280;
	[sflag:s17] =	ssyncadd.s32 $0xFFFFD800  }
.LBB2_6:
0x7d: {  	[tilespmem:s14], [sflag:$0x2] =	stream.indirect.gather [hbm4b:s1+s16], $0x80, s26, s16, $0xb8;
	[tilespmem:$0x1E220] =	vst v63  }
0x7e: {  	s26 =	smov.u32 s25  }
0x7f: {  	p0 =	sne.s32 s25, $0x9600;
	s25 =	sadd.s32 $0x280, s25;
	_ =	swait.ge [sflag:s11], $0x2800  }
0x80: {  	s26 =	sshra.s32 s26, $0x2;
	[sflag:s11] =	ssyncset.done $0x0  }
0x81: {  	s28 =	sadd.s32 $0x2710, s26;
	[sflag:s11] =	ssyncadd.s32 $0xFFFFD800  }
0x82: {  	[spmem:s3] =	stream.indirect.scatter.add.f32 [tilespmem:s13], [sflag:$0x4], $0x80, s28, s16, $0xb8;
	[tilespmem:$0x1E220] =	vst v63  }
0x83: {  	_ =	swait.ge [sflag:s17], $0x2800  }
0x84: {  	[sflag:s17] =	ssyncset.done $0x0  }
0x85: {  	s28 =	sadd.s32 $0xA0, s26;
	[sflag:s17] =	ssyncadd.s32 $0xFFFFD800  }
0x86: {  	[tilespmem:s13], [sflag:$0x1] =	stream.indirect.gather [hbm4b:s1+s16], $0x80, s28, s16, $0xb8;
	[tilespmem:$0x1E220] =	vst v63  }
0x87: {  	_ =	swait.ge [sflag:s12], $0x2800  }
0x88: {  	[sflag:s12] =	ssyncset.done $0x0  }
.Ltmp2:
0x89: {  	s28 =	sadd.s32 $0x2760, s26;
	[sflag:s12] =	ssyncadd.s32 $0xFFFFD800;
	(pc) =	sbr.rel @p0 .LBB2_6-.Ltmp2, $4  }
0x8a: {  	[spmem:s3] =	stream.indirect.scatter.add.f32 [tilespmem:s14], [sflag:$0x4], $0x80, s28, s16, $0xb8;
	[tilespmem:$0x1E220] =	vst v63  }
0x8b: {  	_ =	swait.ge [sflag:s17], $0x2800  }
0x8c: {  	[sflag:s17] =	ssyncset.done $0x0  }
0x8d: {  	s26 =	sadd.s32 $0xF0, s26;
	[sflag:s17] =	ssyncadd.s32 $0xFFFFD800  }
0x8e: {  	[tilespmem:s14], [sflag:$0x2] =	stream.indirect.gather [hbm4b:s1+s16], $0x80, s26, s16, $0xb8;
	[tilespmem:$0x1E220] =	vst v63  }
0x8f: {  	_ =	swait.ge [sflag:s11], $0x2800  }
0x90: {  	[sflag:s11] =	ssyncset.done $0x0  }
0x91: {  	[sflag:s11] =	ssyncadd.s32 $0xFFFFD800  }
0x92: {  	[spmem:s3] =	stream.indirect.scatter.add.f32 [tilespmem:s13], [sflag:$0x4], $0x80, s18, s16, $0xb8;
	[tilespmem:$0x1E220] =	vst v63  }
0x93: {  	_ =	swait.ge [sflag:s17], $0x2800  }
0x94: {  	[sflag:s17] =	ssyncset.done $0x0  }
0x95: {  	[sflag:s17] =	ssyncadd.s32 $0xFFFFD800  }
0x96: {  	_ =	swait.ge [sflag:s12], $0x2800  }
0x97: {  	[sflag:s12] =	ssyncset.done $0x0  }
0x98: {  	[sflag:s12] =	ssyncadd.s32 $0xFFFFD800  }
0x99: {  	[spmem:s3] =	stream.indirect.scatter.add.f32 [tilespmem:s14], [sflag:$0x4], $0x80, s19, s16, $0xb8;
	[tilespmem:$0x1E220] =	vst v63  }
0x9a: {  	_ =	swait.ge [sflag:s17], $0x2800  }
0x9b: {  	[sflag:s17] =	ssyncset.done $0x0  }
0x9c: {  	[sflag:s17] =	ssyncadd.s32 $0xFFFFD800  }
0x9d: {  	[tilespmem:s13], [sflag:$0x1] =	stream.indirect.gather [hbm4b:s1+s16], $0x80, s20, s16, $0xb8;
	[tilespmem:$0x1E220] =	vst v63  }
0x9e: {  	_ =	swait.ge [sflag:s11], $0x2800  }
0x9f: {  	[sflag:s11] =	ssyncset.done $0x0  }
0xa0: {  	[sflag:s11] =	ssyncadd.s32 $0xFFFFD800  }
0xa1: {  	[spmem:s3] =	stream.indirect.scatter.add.f32 [tilespmem:s13], [sflag:$0x4], $0x80, s21, s16, $0xb8;
	[tilespmem:$0x1E220] =	vst v63  }
0xa2: {  	_ =	swait.ge [sflag:s17], $0x2800  }
0xa3: {  	s24 =	sadd.s32 $0x1, s24;
	[sflag:s17] =	ssyncset.done $0x0  }
0xa4: {  	s25 =	sshll.u32 s2, $0x6;
	p0 =	sne.s32 s24, s8;
	[sflag:s17] =	ssyncadd.s32 $0xFFFFD800  }
.Ltmp3:
0xa5: {  	s25 =	sor.u32 $0x1C04, s25;
	[bflag:$0x0] =	sbarrier.arrive $0xFFFF;
	(pc) =	sbr.rel @p0 .LBB2_1-.Ltmp3, $4  }
0xa6: {  	[hbm:s22], [sflag:s25] =	dma.local [spmem:s23], $0x2800  }
0xa7: {  	_ =	swait.ge [sflag:s17], $0x2800  }
0xa8: {  	[sflag:s17] =	ssyncset.done $0x0  }
0xa9: {  	[sflag:s17] =	ssyncadd.s32 $0xFFFFD800  }
0xaa: {  	_ =	sfence.sel $0x180000  }
0xab: {  	[bflag:$0x0] =	sbarrier.arrive $0xFFFF  }
0xac: {  	p0 =	sne.s32 s2, $0x0;
	_ =	strace $0x90000047  }
0xad: {  	s0 =	sadd.s32 @!p0 $0x100000, s0;
	[bflag:$0x2] =	sbarrier.arrive $0xFFFF  }
0xae: {  	[sflag:s0] =	ssyncadd.tile.s32 @!p0 $0x1;
	_ =	shalt  }
.Lfunc_end2:
_tile_overlayer_lowered:
.L_overlay_start_2:
0xaf: {  	(tag) =	ssettag $0x2  }
0xb0: {  	s0 =	rddreg [dreg:$0x0];
	s2 =	stileid.u32  }
0xb1: {  	s1 =	rddreg [dreg:$0x1];
	p0 =	sne.s32 s2, $0x0  }
0xb2: {  	s3 =	rddreg [dreg:$0x2];
	[bflag:$0x3] =	sbarrier.arrive $0xFFFF;
	s2 =	simm.s32 @!p0 $0x1C04  }
0xb3: {  	[timem:s3], [sflag:s2] =	dma.local @!p0 [hbm:s0], s1  }
0xb4: {  	s0 =	simm.s32 @!p0 $0x4  }
0xb5: {  	_ =	swait.ge @!p0 [sflag:s0], s1  }
0xb6: {  	s1 =	ssub.s32 @!p0 $0x0, s1;
	[sflag:s0] =	ssyncset.done @!p0 $0x0  }
0xb7: {  	[sflag:s0] =	ssyncadd.s32 @!p0 s1  }
0xb8: {  	[bflag:$0x3] =	sbarrier.arrive $0xFFFF  }
0xb9: {  	_ =	shalt  }

</sc_bundles>
